<compile_context>
chip_gen: v7x
topology: tpu7x:2x2x1
jax: 0.10.2.dev20260603
libtpu: 0.0.44.dev20260713+nightly
codegen_flags: <defaults>
</compile_context>

<pallas_src>
import functools

import jax
import jax.numpy as jnp
from jax import lax
from jax.experimental import pallas as pl
from jax.experimental.pallas import tpu as pltpu
from jax.experimental.pallas import tpu_sc as plsc

VOCAB = 100000
EMBED = 16
WINDOW = 20
BATCH = 1024
LANES = 128

NUM_CORES = 2
NUM_SUBCORES = 16
NW = NUM_CORES * NUM_SUBCORES
B_PER_W = BATCH // NW

WBLK = 4096
WGRID = (VOCAB + WBLK - 1) // WBLK
VBLK = 2048
VGRID = (VOCAB + VBLK - 1) // VBLK


def _prep_body(tt_ref, o_ref):
    t = tt_ref[...]
    ssq = jnp.sum(t * t, axis=0, keepdims=True)
    norm = jnp.sqrt(ssq)
    scale = jnp.where(ssq > jnp.float32(1.0),
                      jnp.float32(1.0) / (norm + jnp.float32(1e-7)),
                      jnp.float32(1.0))
    o_ref[:, :EMBED] = (t * scale).T


def _tc_prep(table_t):
    return pl.pallas_call(
        _prep_body,
        grid=(WGRID,),
        in_specs=[pl.BlockSpec((EMBED, WBLK), lambda j: (0, j))],
        out_specs=pl.BlockSpec((WBLK, LANES), lambda j: (j, 0)),
        out_shape=jax.ShapeDtypeStruct((VOCAB, LANES), jnp.float32),
        compiler_params=pltpu.CompilerParams(
            dimension_semantics=("parallel",),
        ),
    )(table_t)


def _sc_pool_body(idx_hbm, table_hbm, out_hbm, idx_v, rows_v, pool_v,
                  sem0, sem1):
    wid = lax.axis_index("s") * NUM_CORES + lax.axis_index("c")

    for w in range(WINDOW):
        pltpu.async_copy(idx_hbm.at[pl.ds(w * BATCH + wid * B_PER_W, B_PER_W)],
                         idx_v.at[pl.ds(w * B_PER_W, B_PER_W)], sem0)
    for w in range(WINDOW):
        pltpu.make_async_copy(
            idx_hbm.at[pl.ds(w * BATCH + wid * B_PER_W, B_PER_W)],
            idx_v.at[pl.ds(w * B_PER_W, B_PER_W)], sem0).wait()

    for c in range(WINDOW * B_PER_W // 128):
        pltpu.async_copy(table_hbm.at[idx_v.at[pl.ds(c * 128, 128)]],
                         rows_v.at[pl.ds(c * 128, 128)], sem1)
    for c in range(WINDOW * B_PER_W // 128):
        pltpu.make_async_copy(table_hbm.at[idx_v.at[pl.ds(c * 128, 128)]],
                              rows_v.at[pl.ds(c * 128, 128)], sem1).wait()

    def outer(b, carry):
        def inner(w, acc):
            return acc + rows_v[w * B_PER_W + b, pl.ds(0, 16)]

        acc = lax.fori_loop(0, WINDOW, inner, jnp.zeros((16,), jnp.float32))
        pool_v[b, pl.ds(0, 16)] = acc
        return carry

    lax.fori_loop(0, B_PER_W, outer, 0)
    pltpu.sync_copy(pool_v, out_hbm.at[pl.ds(wid * B_PER_W, B_PER_W)])


@functools.cache
def _sc_pool():
    return pl.kernel(
        _sc_pool_body,
        mesh=plsc.VectorSubcoreMesh(core_axis_name="c", subcore_axis_name="s"),
        out_type=jax.ShapeDtypeStruct((BATCH, LANES), jnp.float32),
        scratch_types=[
            pltpu.VMEM((B_PER_W * WINDOW,), jnp.int32),
            pltpu.VMEM((B_PER_W * WINDOW, LANES), jnp.float32),
            pltpu.VMEM((B_PER_W, LANES), jnp.float32),
            pltpu.SemaphoreType.DMA,
            pltpu.SemaphoreType.DMA,
        ],
        compiler_params=pltpu.CompilerParams(needs_layout_passes=False),
    )


def _mm_body(wt_ref, p_ref, b_ref, o_ref):
    wk = jnp.concatenate([wt_ref[...], b_ref[...]], axis=0)
    p17 = jnp.concatenate(
        [p_ref[:, :EMBED] * jnp.float32(1.0 / WINDOW),
         jnp.ones((BATCH, 1), jnp.float32)], axis=1)
    o_ref[...] = lax.dot_general(
        wk, p17,
        dimension_numbers=(((0,), (1,)), ((), ())),
        preferred_element_type=jnp.float32,
    )


def _tc_project(W_t, pooled, b2):
    return pl.pallas_call(
        _mm_body,
        grid=(VGRID,),
        in_specs=[
            pl.BlockSpec((EMBED, VBLK), lambda j: (0, j)),
            pl.BlockSpec((BATCH, LANES), lambda j: (0, 0)),
            pl.BlockSpec((1, VBLK), lambda j: (0, j)),
        ],
        out_specs=pl.BlockSpec((VBLK, BATCH), lambda j: (j, 0)),
        out_shape=jax.ShapeDtypeStruct((VOCAB, BATCH), jnp.float32),
        compiler_params=pltpu.CompilerParams(
            dimension_semantics=("parallel",),
            fuse_transposed_lhs_in_matmul=True,
        ),
    )(W_t, pooled, b2)


def kernel(x, table, W, b):
    idx_t = x.T.reshape(-1).astype(jnp.int32)
    table_sw = _tc_prep(table.T)
    pooled = _sc_pool()(idx_t, table_sw)
    out_t = _tc_project(W.T, pooled, b.reshape(1, VOCAB))
    return out_t.T

# --- scband reference (transcript-rebuilt; emitter-appended) ---
"""Pipeline reference for scband-cbow-68410239090829 (READ-ONLY COPY).

The authoritative reference and input builder live on the scoring server;
editing this copy changes nothing except your own understanding.
"""

import jax, jax.numpy as jnp
import numpy as np

VOCAB = 100000
EMBED = 16
WINDOW = 20
BATCH = 1024


def setup_inputs(seed: int = 0) -> dict:
    key = jax.random.key(seed)
    k1, k2, k3, k4 = jax.random.split(key, 4)
    x = jax.random.randint(k1, (BATCH, WINDOW), 0, VOCAB, dtype=jnp.int64 if jax.config.jax_enable_x64 else jnp.int32)
    table = jax.random.normal(k2, (VOCAB, EMBED), dtype=jnp.float32)
    W = jax.random.normal(k3, (VOCAB, EMBED), dtype=jnp.float32) * 0.02
    b = jnp.zeros((VOCAB,), dtype=jnp.float32)
    return {"x": x, "table": table, "W": W, "b": b}


def reference(x, table, W, b):
    # nn.Embedding(vocab, embed, max_norm=1): gather rows, renormalize rows whose L2 norm > 1
    emb = jnp.take(table, x, axis=0)  # [B, WINDOW, EMBED]
    norms = jnp.linalg.norm(emb, axis=-1, keepdims=True)
    scale = jnp.where(norms > 1.0, 1.0 / (norms + 1e-7), 1.0)
    emb = emb * scale
    # transpose to [B, EMBED, WINDOW]; AvgPool1d(WINDOW) over full width == mean over window dim; squeeze -> [B, EMBED]
    pooled = jnp.mean(emb, axis=1)
    # linear: embed -> vocab
    out = pooled @ W.T + b
    return out

if __name__ == "__main__":
    import jax
    _d = setup_inputs()
    print(jax.jit(kernel)(*tuple(_d.values())))

</pallas_src>

<mosaic_0001>
#map = affine_map<(d0, d1) -> (0)>
#map1 = affine_map<(d0, d1) -> (0, 0)>
module attributes {stable_mosaic.version = 14 : i64} {
  func.func @_sc_pool_body(%arg0: i32, %arg1: i32, %arg2: memref<20480xi32, #tpu.memory_space<hbm>>, %arg3: memref<100000x128xf32, #tpu.memory_space<hbm>>, %arg4: memref<1024x128xf32, #tpu.memory_space<hbm>>, %arg5: memref<640xi32, #tpu.memory_space<vmem>>, %arg6: memref<640x128xf32, #tpu.memory_space<vmem>>, %arg7: memref<32x128xf32, #tpu.memory_space<vmem>>, %arg8: memref<!tpu.dma_semaphore, #tpu.memory_space<semaphore_mem>>, %arg9: memref<!tpu.dma_semaphore, #tpu.memory_space<semaphore_mem>>) attributes {dimension_semantics = [#tpu.dimension_semantics<core_parallel>, #tpu.dimension_semantics<subcore_parallel>], iteration_bounds = array<i64: 2, 16>, scalar_prefetch = 0 : i64, scratch_operands = 5 : i64, tpu.core_type = #tpu.core_type<sc_vector_subcore>, window_params = [{transform_indices = #map}, {transform_indices = #map1}, {transform_indices = #map1}]} {
    %mul3A = arith.constant 2 : i32
    %mul3A_0 = arith.muli %arg1, %mul3A : i32
    %add3A = arith.addi %mul3A_0, %arg0 : i32
    %mul3A_1 = arith.constant 32 : i32
    %mul3A_2 = arith.muli %add3A, %mul3A_1 : i32
    %add3A_3 = arith.constant 0 : i32
    %add3A_4 = arith.addi %add3A_3, %mul3A_2 : i32
    %dma_start3A = arith.constant 0 : i32
    %dma_start3A_5 = tpu.memref_slice %arg5[%dma_start3A] : memref<640xi32, #tpu.memory_space<vmem>> -> memref<32xi32, #tpu.memory_space<vmem>>
    %dma_start3A_6 = tpu.memref_slice %arg2[%add3A_4] : memref<20480xi32, #tpu.memory_space<hbm>> -> memref<32xi32, #tpu.memory_space<hbm>>
    %dma_start3A_7 = arith.constant 0 : i32
    %dma_start3A_8 = tpu.memref_slice %arg5[%dma_start3A_7] : memref<640xi32, #tpu.memory_space<vmem>> -> memref<32xi32, #tpu.memory_space<vmem>>
    %dma_start3A_9 = tpu.memref_slice %arg2[%add3A_4] : memref<20480xi32, #tpu.memory_space<hbm>> -> memref<32xi32, #tpu.memory_space<hbm>>
    tpu.enqueue_dma source(%dma_start3A_9 : memref<32xi32, #tpu.memory_space<hbm>>) target(%dma_start3A_8 : memref<32xi32, #tpu.memory_space<vmem>>) target_semaphore(%arg8 : memref<!tpu.dma_semaphore, #tpu.memory_space<semaphore_mem>>)
    %mul3A_10 = arith.constant 32 : i32
    %mul3A_11 = arith.muli %add3A, %mul3A_10 : i32
    %add3A_12 = arith.constant 1024 : i32
    %add3A_13 = arith.addi %add3A_12, %mul3A_11 : i32
    %dma_start3A_14 = arith.constant 32 : i32
    %dma_start3A_15 = tpu.memref_slice %arg5[%dma_start3A_14] : memref<640xi32, #tpu.memory_space<vmem>> -> memref<32xi32, #tpu.memory_space<vmem>>
    %dma_start3A_16 = tpu.memref_slice %arg2[%add3A_13] : memref<20480xi32, #tpu.memory_space<hbm>> -> memref<32xi32, #tpu.memory_space<hbm>>
    %dma_start3A_17 = arith.constant 32 : i32
    %dma_start3A_18 = tpu.memref_slice %arg5[%dma_start3A_17] : memref<640xi32, #tpu.memory_space<vmem>> -> memref<32xi32, #tpu.memory_space<vmem>>
    %dma_start3A_19 = tpu.memref_slice %arg2[%add3A_13] : memref<20480xi32, #tpu.memory_space<hbm>> -> memref<32xi32, #tpu.memory_space<hbm>>
    tpu.enqueue_dma source(%dma_start3A_19 : memref<32xi32, #tpu.memory_space<hbm>>) target(%dma_start3A_18 : memref<32xi32, #tpu.memory_space<vmem>>) target_semaphore(%arg8 : memref<!tpu.dma_semaphore, #tpu.memory_space<semaphore_mem>>)
    %mul3A_20 = arith.constant 32 : i32
    %mul3A_21 = arith.muli %add3A, %mul3A_20 : i32
    %add3A_22 = arith.constant 2048 : i32
    %add3A_23 = arith.addi %add3A_22, %mul3A_21 : i32
    %dma_start3A_24 = arith.constant 64 : i32
    %dma_start3A_25 = tpu.memref_slice %arg5[%dma_start3A_24] : memref<640xi32, #tpu.memory_space<vmem>> -> memref<32xi32, #tpu.memory_space<vmem>>
    %dma_start3A_26 = tpu.memref_slice %arg2[%add3A_23] : memref<20480xi32, #tpu.memory_space<hbm>> -> memref<32xi32, #tpu.memory_space<hbm>>
    %dma_start3A_27 = arith.constant 64 : i32
    %dma_start3A_28 = tpu.memref_slice %arg5[%dma_start3A_27] : memref<640xi32, #tpu.memory_space<vmem>> -> memref<32xi32, #tpu.memory_space<vmem>>
    %dma_start3A_29 = tpu.memref_slice %arg2[%add3A_23] : memref<20480xi32, #tpu.memory_space<hbm>> -> memref<32xi32, #tpu.memory_space<hbm>>
    tpu.enqueue_dma source(%dma_start3A_29 : memref<32xi32, #tpu.memory_space<hbm>>) target(%dma_start3A_28 : memref<32xi32, #tpu.memory_space<vmem>>) target_semaphore(%arg8 : memref<!tpu.dma_semaphore, #tpu.memory_space<semaphore_mem>>)
    %mul3A_30 = arith.constant 32 : i32
    %mul3A_31 = arith.muli %add3A, %mul3A_30 : i32
    %add3A_32 = arith.constant 3072 : i32
    %add3A_33 = arith.addi %add3A_32, %mul3A_31 : i32
    %dma_start3A_34 = arith.constant 96 : i32
    %dma_start3A_35 = tpu.memref_slice %arg5[%dma_start3A_34] : memref<640xi32, #tpu.memory_space<vmem>> -> memref<32xi32, #tpu.memory_space<vmem>>
    %dma_start3A_36 = tpu.memref_slice %arg2[%add3A_33] : memref<20480xi32, #tpu.memory_space<hbm>> -> memref<32xi32, #tpu.memory_space<hbm>>
    %dma_start3A_37 = arith.constant 96 : i32
    %dma_start3A_38 = tpu.memref_slice %arg5[%dma_start3A_37] : memref<640xi32, #tpu.memory_space<vmem>> -> memref<32xi32, #tpu.memory_space<vmem>>
    %dma_start3A_39 = tpu.memref_slice %arg2[%add3A_33] : memref<20480xi32, #tpu.memory_space<hbm>> -> memref<32xi32, #tpu.memory_space<hbm>>
    tpu.enqueue_dma source(%dma_start3A_39 : memref<32xi32, #tpu.memory_space<hbm>>) target(%dma_start3A_38 : memref<32xi32, #tpu.memory_space<vmem>>) target_semaphore(%arg8 : memref<!tpu.dma_semaphore, #tpu.memory_space<semaphore_mem>>)
    %mul3A_40 = arith.constant 32 : i32
    %mul3A_41 = arith.muli %add3A, %mul3A_40 : i32
    %add3A_42 = arith.constant 4096 : i32
    %add3A_43 = arith.addi %add3A_42, %mul3A_41 : i32
    %dma_start3A_44 = arith.constant 128 : i32
    %dma_start3A_45 = tpu.memref_slice %arg5[%dma_start3A_44] : memref<640xi32, #tpu.memory_space<vmem>> -> memref<32xi32, #tpu.memory_space<vmem>>
    %dma_start3A_46 = tpu.memref_slice %arg2[%add3A_43] : memref<20480xi32, #tpu.memory_space<hbm>> -> memref<32xi32, #tpu.memory_space<hbm>>
    %dma_start3A_47 = arith.constant 128 : i32
    %dma_start3A_48 = tpu.memref_slice %arg5[%dma_start3A_47] : memref<640xi32, #tpu.memory_space<vmem>> -> memref<32xi32, #tpu.memory_space<vmem>>
    %dma_start3A_49 = tpu.memref_slice %arg2[%add3A_43] : memref<20480xi32, #tpu.memory_space<hbm>> -> memref<32xi32, #tpu.memory_space<hbm>>
    tpu.enqueue_dma source(%dma_start3A_49 : memref<32xi32, #tpu.memory_space<hbm>>) target(%dma_start3A_48 : memref<32xi32, #tpu.memory_space<vmem>>) target_semaphore(%arg8 : memref<!tpu.dma_semaphore, #tpu.memory_space<semaphore_mem>>)
    %mul3A_50 = arith.constant 32 : i32
    %mul3A_51 = arith.muli %add3A, %mul3A_50 : i32
    %add3A_52 = arith.constant 5120 : i32
    %add3A_53 = arith.addi %add3A_52, %mul3A_51 : i32
    %dma_start3A_54 = arith.constant 160 : i32
    %dma_start3A_55 = tpu.memref_slice %arg5[%dma_start3A_54] : memref<640xi32, #tpu.memory_space<vmem>> -> memref<32xi32, #tpu.memory_space<vmem>>
    %dma_start3A_56 = tpu.memref_slice %arg2[%add3A_53] : memref<20480xi32, #tpu.memory_space<hbm>> -> memref<32xi32, #tpu.memory_space<hbm>>
    %dma_start3A_57 = arith.constant 160 : i32
    %dma_start3A_58 = tpu.memref_slice %arg5[%dma_start3A_57] : memref<640xi32, #tpu.memory_space<vmem>> -> memref<32xi32, #tpu.memory_space<vmem>>
    %dma_start3A_59 = tpu.memref_slice %arg2[%add3A_53] : memref<20480xi32, #tpu.memory_space<hbm>> -> memref<32xi32, #tpu.memory_space<hbm>>
    tpu.enqueue_dma source(%dma_start3A_59 : memref<32xi32, #tpu.memory_space<hbm>>) target(%dma_start3A_58 : memref<32xi32, #tpu.memory_space<vmem>>) target_semaphore(%arg8 : memref<!tpu.dma_semaphore, #tpu.memory_space<semaphore_mem>>)
    %mul3A_60 = arith.constant 32 : i32
    %mul3A_61 = arith.muli %add3A, %mul3A_60 : i32
    %add3A_62 = arith.constant 6144 : i32
    %add3A_63 = arith.addi %add3A_62, %mul3A_61 : i32
    %dma_start3A_64 = arith.constant 192 : i32
    %dma_start3A_65 = tpu.memref_slice %arg5[%dma_start3A_64] : memref<640xi32, #tpu.memory_space<vmem>> -> memref<32xi32, #tpu.memory_space<vmem>>
    %dma_start3A_66 = tpu.memref_slice %arg2[%add3A_63] : memref<20480xi32, #tpu.memory_space<hbm>> -> memref<32xi32, #tpu.memory_space<hbm>>
    %dma_start3A_67 = arith.constant 192 : i32
    %dma_start3A_68 = tpu.memref_slice %arg5[%dma_start3A_67] : memref<640xi32, #tpu.memory_space<vmem>> -> memref<32xi32, #tpu.memory_space<vmem>>
    %dma_start3A_69 = tpu.memref_slice %arg2[%add3A_63] : memref<20480xi32, #tpu.memory_space<hbm>> -> memref<32xi32, #tpu.memory_space<hbm>>
    tpu.enqueue_dma source(%dma_start3A_69 : memref<32xi32, #tpu.memory_space<hbm>>) target(%dma_start3A_68 : memref<32xi32, #tpu.memory_space<vmem>>) target_semaphore(%arg8 : memref<!tpu.dma_semaphore, #tpu.memory_space<semaphore_mem>>)
    %mul3A_70 = arith.constant 32 : i32
    %mul3A_71 = arith.muli %add3A, %mul3A_70 : i32
    %add3A_72 = arith.constant 7168 : i32
    %add3A_73 = arith.addi %add3A_72, %mul3A_71 : i32
    %dma_start3A_74 = arith.constant 224 : i32
    %dma_start3A_75 = tpu.memref_slice %arg5[%dma_start3A_74] : memref<640xi32, #tpu.memory_space<vmem>> -> memref<32xi32, #tpu.memory_space<vmem>>
    %dma_start3A_76 = tpu.memref_slice %arg2[%add3A_73] : memref<20480xi32, #tpu.memory_space<hbm>> -> memref<32xi32, #tpu.memory_space<hbm>>
    %dma_start3A_77 = arith.constant 224 : i32
    %dma_start3A_78 = tpu.memref_slice %arg5[%dma_start3A_77] : memref<640xi32, #tpu.memory_space<vmem>> -> memref<32xi32, #tpu.memory_space<vmem>>
    %dma_start3A_79 = tpu.memref_slice %arg2[%add3A_73] : memref<20480xi32, #tpu.memory_space<hbm>> -> memref<32xi32, #tpu.memory_space<hbm>>
    tpu.enqueue_dma source(%dma_start3A_79 : memref<32xi32, #tpu.memory_space<hbm>>) target(%dma_start3A_78 : memref<32xi32, #tpu.memory_space<vmem>>) target_semaphore(%arg8 : memref<!tpu.dma_semaphore, #tpu.memory_space<semaphore_mem>>)
    %mul3A_80 = arith.constant 32 : i32
    %mul3A_81 = arith.muli %add3A, %mul3A_80 : i32
    %add3A_82 = arith.constant 8192 : i32
    %add3A_83 = arith.addi %add3A_82, %mul3A_81 : i32
    %dma_start3A_84 = arith.constant 256 : i32
    %dma_start3A_85 = tpu.memref_slice %arg5[%dma_start3A_84] : memref<640xi32, #tpu.memory_space<vmem>> -> memref<32xi32, #tpu.memory_space<vmem>>
    %dma_start3A_86 = tpu.memref_slice %arg2[%add3A_83] : memref<20480xi32, #tpu.memory_space<hbm>> -> memref<32xi32, #tpu.memory_space<hbm>>
    %dma_start3A_87 = arith.constant 256 : i32
    %dma_start3A_88 = tpu.memref_slice %arg5[%dma_start3A_87] : memref<640xi32, #tpu.memory_space<vmem>> -> memref<32xi32, #tpu.memory_space<vmem>>
    %dma_start3A_89 = tpu.memref_slice %arg2[%add3A_83] : memref<20480xi32, #tpu.memory_space<hbm>> -> memref<32xi32, #tpu.memory_space<hbm>>
    tpu.enqueue_dma source(%dma_start3A_89 : memref<32xi32, #tpu.memory_space<hbm>>) target(%dma_start3A_88 : memref<32xi32, #tpu.memory_space<vmem>>) target_semaphore(%arg8 : memref<!tpu.dma_semaphore, #tpu.memory_space<semaphore_mem>>)
    %mul3A_90 = arith.constant 32 : i32
    %mul3A_91 = arith.muli %add3A, %mul3A_90 : i32
    %add3A_92 = arith.constant 9216 : i32
    %add3A_93 = arith.addi %add3A_92, %mul3A_91 : i32
    %dma_start3A_94 = arith.constant 288 : i32
    %dma_start3A_95 = tpu.memref_slice %arg5[%dma_start3A_94] : memref<640xi32, #tpu.memory_space<vmem>> -> memref<32xi32, #tpu.memory_space<vmem>>
    %dma_start3A_96 = tpu.memref_slice %arg2[%add3A_93] : memref<20480xi32, #tpu.memory_space<hbm>> -> memref<32xi32, #tpu.memory_space<hbm>>
    %dma_start3A_97 = arith.constant 288 : i32
    %dma_start3A_98 = tpu.memref_slice %arg5[%dma_start3A_97] : memref<640xi32, #tpu.memory_space<vmem>> -> memref<32xi32, #tpu.memory_space<vmem>>
    %dma_start3A_99 = tpu.memref_slice %arg2[%add3A_93] : memref<20480xi32, #tpu.memory_space<hbm>> -> memref<32xi32, #tpu.memory_space<hbm>>
    tpu.enqueue_dma source(%dma_start3A_99 : memref<32xi32, #tpu.memory_space<hbm>>) target(%dma_start3A_98 : memref<32xi32, #tpu.memory_space<vmem>>) target_semaphore(%arg8 : memref<!tpu.dma_semaphore, #tpu.memory_space<semaphore_mem>>)
    %mul3A_100 = arith.constant 32 : i32
    %mul3A_101 = arith.muli %add3A, %mul3A_100 : i32
    %add3A_102 = arith.constant 10240 : i32
    %add3A_103 = arith.addi %add3A_102, %mul3A_101 : i32
    %dma_start3A_104 = arith.constant 320 : i32
    %dma_start3A_105 = tpu.memref_slice %arg5[%dma_start3A_104] : memref<640xi32, #tpu.memory_space<vmem>> -> memref<32xi32, #tpu.memory_space<vmem>>
    %dma_start3A_106 = tpu.memref_slice %arg2[%add3A_103] : memref<20480xi32, #tpu.memory_space<hbm>> -> memref<32xi32, #tpu.memory_space<hbm>>
    %dma_start3A_107 = arith.constant 320 : i32
    %dma_start3A_108 = tpu.memref_slice %arg5[%dma_start3A_107] : memref<640xi32, #tpu.memory_space<vmem>> -> memref<32xi32, #tpu.memory_space<vmem>>
    %dma_start3A_109 = tpu.memref_slice %arg2[%add3A_103] : memref<20480xi32, #tpu.memory_space<hbm>> -> memref<32xi32, #tpu.memory_space<hbm>>
    tpu.enqueue_dma source(%dma_start3A_109 : memref<32xi32, #tpu.memory_space<hbm>>) target(%dma_start3A_108 : memref<32xi32, #tpu.memory_space<vmem>>) target_semaphore(%arg8 : memref<!tpu.dma_semaphore, #tpu.memory_space<semaphore_mem>>)
    %mul3A_110 = arith.constant 32 : i32
    %mul3A_111 = arith.muli %add3A, %mul3A_110 : i32
    %add3A_112 = arith.constant 11264 : i32
    %add3A_113 = arith.addi %add3A_112, %mul3A_111 : i32
    %dma_start3A_114 = arith.constant 352 : i32
    %dma_start3A_115 = tpu.memref_slice %arg5[%dma_start3A_114] : memref<640xi32, #tpu.memory_space<vmem>> -> memref<32xi32, #tpu.memory_space<vmem>>
    %dma_start3A_116 = tpu.memref_slice %arg2[%add3A_113] : memref<20480xi32, #tpu.memory_space<hbm>> -> memref<32xi32, #tpu.memory_space<hbm>>
    %dma_start3A_117 = arith.constant 352 : i32
    %dma_start3A_118 = tpu.memref_slice %arg5[%dma_start3A_117] : memref<640xi32, #tpu.memory_space<vmem>> -> memref<32xi32, #tpu.memory_space<vmem>>
    %dma_start3A_119 = tpu.memref_slice %arg2[%add3A_113] : memref<20480xi32, #tpu.memory_space<hbm>> -> memref<32xi32, #tpu.memory_space<hbm>>
    tpu.enqueue_dma source(%dma_start3A_119 : memref<32xi32, #tpu.memory_space<hbm>>) target(%dma_start3A_118 : memref<32xi32, #tpu.memory_space<vmem>>) target_semaphore(%arg8 : memref<!tpu.dma_semaphore, #tpu.memory_space<semaphore_mem>>)
    %mul3A_120 = arith.constant 32 : i32
    %mul3A_121 = arith.muli %add3A, %mul3A_120 : i32
    %add3A_122 = arith.constant 12288 : i32
    %add3A_123 = arith.addi %add3A_122, %mul3A_121 : i32
    %dma_start3A_124 = arith.constant 384 : i32
    %dma_start3A_125 = tpu.memref_slice %arg5[%dma_start3A_124] : memref<640xi32, #tpu.memory_space<vmem>> -> memref<32xi32, #tpu.memory_space<vmem>>
    %dma_start3A_126 = tpu.memref_slice %arg2[%add3A_123] : memref<20480xi32, #tpu.memory_space<hbm>> -> memref<32xi32, #tpu.memory_space<hbm>>
    %dma_start3A_127 = arith.constant 384 : i32
    %dma_start3A_128 = tpu.memref_slice %arg5[%dma_start3A_127] : memref<640xi32, #tpu.memory_space<vmem>> -> memref<32xi32, #tpu.memory_space<vmem>>
    %dma_start3A_129 = tpu.memref_slice %arg2[%add3A_123] : memref<20480xi32, #tpu.memory_space<hbm>> -> memref<32xi32, #tpu.memory_space<hbm>>
    tpu.enqueue_dma source(%dma_start3A_129 : memref<32xi32, #tpu.memory_space<hbm>>) target(%dma_start3A_128 : memref<32xi32, #tpu.memory_space<vmem>>) target_semaphore(%arg8 : memref<!tpu.dma_semaphore, #tpu.memory_space<semaphore_mem>>)
    %mul3A_130 = arith.constant 32 : i32
    %mul3A_131 = arith.muli %add3A, %mul3A_130 : i32
    %add3A_132 = arith.constant 13312 : i32
    %add3A_133 = arith.addi %add3A_132, %mul3A_131 : i32
    %dma_start3A_134 = arith.constant 416 : i32
    %dma_start3A_135 = tpu.memref_slice %arg5[%dma_start3A_134] : memref<640xi32, #tpu.memory_space<vmem>> -> memref<32xi32, #tpu.memory_space<vmem>>
    %dma_start3A_136 = tpu.memref_slice %arg2[%add3A_133] : memref<20480xi32, #tpu.memory_space<hbm>> -> memref<32xi32, #tpu.memory_space<hbm>>
    %dma_start3A_137 = arith.constant 416 : i32
    %dma_start3A_138 = tpu.memref_slice %arg5[%dma_start3A_137] : memref<640xi32, #tpu.memory_space<vmem>> -> memref<32xi32, #tpu.memory_space<vmem>>
    %dma_start3A_139 = tpu.memref_slice %arg2[%add3A_133] : memref<20480xi32, #tpu.memory_space<hbm>> -> memref<32xi32, #tpu.memory_space<hbm>>
    tpu.enqueue_dma source(%dma_start3A_139 : memref<32xi32, #tpu.memory_space<hbm>>) target(%dma_start3A_138 : memref<32xi32, #tpu.memory_space<vmem>>) target_semaphore(%arg8 : memref<!tpu.dma_semaphore, #tpu.memory_space<semaphore_mem>>)
    %mul3A_140 = arith.constant 32 : i32
    %mul3A_141 = arith.muli %add3A, %mul3A_140 : i32
    %add3A_142 = arith.constant 14336 : i32
    %add3A_143 = arith.addi %add3A_142, %mul3A_141 : i32
    %dma_start3A_144 = arith.constant 448 : i32
    %dma_start3A_145 = tpu.memref_slice %arg5[%dma_start3A_144] : memref<640xi32, #tpu.memory_space<vmem>> -> memref<32xi32, #tpu.memory_space<vmem>>
    %dma_start3A_146 = tpu.memref_slice %arg2[%add3A_143] : memref<20480xi32, #tpu.memory_space<hbm>> -> memref<32xi32, #tpu.memory_space<hbm>>
    %dma_start3A_147 = arith.constant 448 : i32
    %dma_start3A_148 = tpu.memref_slice %arg5[%dma_start3A_147] : memref<640xi32, #tpu.memory_space<vmem>> -> memref<32xi32, #tpu.memory_space<vmem>>
    %dma_start3A_149 = tpu.memref_slice %arg2[%add3A_143] : memref<20480xi32, #tpu.memory_space<hbm>> -> memref<32xi32, #tpu.memory_space<hbm>>
    tpu.enqueue_dma source(%dma_start3A_149 : memref<32xi32, #tpu.memory_space<hbm>>) target(%dma_start3A_148 : memref<32xi32, #tpu.memory_space<vmem>>) target_semaphore(%arg8 : memref<!tpu.dma_semaphore, #tpu.memory_space<semaphore_mem>>)
    %mul3A_150 = arith.constant 32 : i32
    %mul3A_151 = arith.muli %add3A, %mul3A_150 : i32
    %add3A_152 = arith.constant 15360 : i32
    %add3A_153 = arith.addi %add3A_152, %mul3A_151 : i32
    %dma_start3A_154 = arith.constant 480 : i32
    %dma_start3A_155 = tpu.memref_slice %arg5[%dma_start3A_154] : memref<640xi32, #tpu.memory_space<vmem>> -> memref<32xi32, #tpu.memory_space<vmem>>
    %dma_start3A_156 = tpu.memref_slice %arg2[%add3A_153] : memref<20480xi32, #tpu.memory_space<hbm>> -> memref<32xi32, #tpu.memory_space<hbm>>
    %dma_start3A_157 = arith.constant 480 : i32
    %dma_start3A_158 = tpu.memref_slice %arg5[%dma_start3A_157] : memref<640xi32, #tpu.memory_space<vmem>> -> memref<32xi32, #tpu.memory_space<vmem>>
    %dma_start3A_159 = tpu.memref_slice %arg2[%add3A_153] : memref<20480xi32, #tpu.memory_space<hbm>> -> memref<32xi32, #tpu.memory_space<hbm>>
    tpu.enqueue_dma source(%dma_start3A_159 : memref<32xi32, #tpu.memory_space<hbm>>) target(%dma_start3A_158 : memref<32xi32, #tpu.memory_space<vmem>>) target_semaphore(%arg8 : memref<!tpu.dma_semaphore, #tpu.memory_space<semaphore_mem>>)
    %mul3A_160 = arith.constant 32 : i32
    %mul3A_161 = arith.muli %add3A, %mul3A_160 : i32
    %add3A_162 = arith.constant 16384 : i32
    %add3A_163 = arith.addi %add3A_162, %mul3A_161 : i32
    %dma_start3A_164 = arith.constant 512 : i32
    %dma_start3A_165 = tpu.memref_slice %arg5[%dma_start3A_164] : memref<640xi32, #tpu.memory_space<vmem>> -> memref<32xi32, #tpu.memory_space<vmem>>
    %dma_start3A_166 = tpu.memref_slice %arg2[%add3A_163] : memref<20480xi32, #tpu.memory_space<hbm>> -> memref<32xi32, #tpu.memory_space<hbm>>
    %dma_start3A_167 = arith.constant 512 : i32
    %dma_start3A_168 = tpu.memref_slice %arg5[%dma_start3A_167] : memref<640xi32, #tpu.memory_space<vmem>> -> memref<32xi32, #tpu.memory_space<vmem>>
    %dma_start3A_169 = tpu.memref_slice %arg2[%add3A_163] : memref<20480xi32, #tpu.memory_space<hbm>> -> memref<32xi32, #tpu.memory_space<hbm>>
    tpu.enqueue_dma source(%dma_start3A_169 : memref<32xi32, #tpu.memory_space<hbm>>) target(%dma_start3A_168 : memref<32xi32, #tpu.memory_space<vmem>>) target_semaphore(%arg8 : memref<!tpu.dma_semaphore, #tpu.memory_space<semaphore_mem>>)
    %mul3A_170 = arith.constant 32 : i32
    %mul3A_171 = arith.muli %add3A, %mul3A_170 : i32
    %add3A_172 = arith.constant 17408 : i32
    %add3A_173 = arith.addi %add3A_172, %mul3A_171 : i32
    %dma_start3A_174 = arith.constant 544 : i32
    %dma_start3A_175 = tpu.memref_slice %arg5[%dma_start3A_174] : memref<640xi32, #tpu.memory_space<vmem>> -> memref<32xi32, #tpu.memory_space<vmem>>
    %dma_start3A_176 = tpu.memref_slice %arg2[%add3A_173] : memref<20480xi32, #tpu.memory_space<hbm>> -> memref<32xi32, #tpu.memory_space<hbm>>
    %dma_start3A_177 = arith.constant 544 : i32
    %dma_start3A_178 = tpu.memref_slice %arg5[%dma_start3A_177] : memref<640xi32, #tpu.memory_space<vmem>> -> memref<32xi32, #tpu.memory_space<vmem>>
    %dma_start3A_179 = tpu.memref_slice %arg2[%add3A_173] : memref<20480xi32, #tpu.memory_space<hbm>> -> memref<32xi32, #tpu.memory_space<hbm>>
    tpu.enqueue_dma source(%dma_start3A_179 : memref<32xi32, #tpu.memory_space<hbm>>) target(%dma_start3A_178 : memref<32xi32, #tpu.memory_space<vmem>>) target_semaphore(%arg8 : memref<!tpu.dma_semaphore, #tpu.memory_space<semaphore_mem>>)
    %mul3A_180 = arith.constant 32 : i32
    %mul3A_181 = arith.muli %add3A, %mul3A_180 : i32
    %add3A_182 = arith.constant 18432 : i32
    %add3A_183 = arith.addi %add3A_182, %mul3A_181 : i32
    %dma_start3A_184 = arith.constant 576 : i32
    %dma_start3A_185 = tpu.memref_slice %arg5[%dma_start3A_184] : memref<640xi32, #tpu.memory_space<vmem>> -> memref<32xi32, #tpu.memory_space<vmem>>
    %dma_start3A_186 = tpu.memref_slice %arg2[%add3A_183] : memref<20480xi32, #tpu.memory_space<hbm>> -> memref<32xi32, #tpu.memory_space<hbm>>
    %dma_start3A_187 = arith.constant 576 : i32
    %dma_start3A_188 = tpu.memref_slice %arg5[%dma_start3A_187] : memref<640xi32, #tpu.memory_space<vmem>> -> memref<32xi32, #tpu.memory_space<vmem>>
    %dma_start3A_189 = tpu.memref_slice %arg2[%add3A_183] : memref<20480xi32, #tpu.memory_space<hbm>> -> memref<32xi32, #tpu.memory_space<hbm>>
    tpu.enqueue_dma source(%dma_start3A_189 : memref<32xi32, #tpu.memory_space<hbm>>) target(%dma_start3A_188 : memref<32xi32, #tpu.memory_space<vmem>>) target_semaphore(%arg8 : memref<!tpu.dma_semaphore, #tpu.memory_space<semaphore_mem>>)
    %mul3A_190 = arith.constant 32 : i32
    %mul3A_191 = arith.muli %add3A, %mul3A_190 : i32
    %add3A_192 = arith.constant 19456 : i32
    %add3A_193 = arith.addi %add3A_192, %mul3A_191 : i32
    %dma_start3A_194 = arith.constant 608 : i32
    %dma_start3A_195 = tpu.memref_slice %arg5[%dma_start3A_194] : memref<640xi32, #tpu.memory_space<vmem>> -> memref<32xi32, #tpu.memory_space<vmem>>
    %dma_start3A_196 = tpu.memref_slice %arg2[%add3A_193] : memref<20480xi32, #tpu.memory_space<hbm>> -> memref<32xi32, #tpu.memory_space<hbm>>
    %dma_start3A_197 = arith.constant 608 : i32
    %dma_start3A_198 = tpu.memref_slice %arg5[%dma_start3A_197] : memref<640xi32, #tpu.memory_space<vmem>> -> memref<32xi32, #tpu.memory_space<vmem>>
    %dma_start3A_199 = tpu.memref_slice %arg2[%add3A_193] : memref<20480xi32, #tpu.memory_space<hbm>> -> memref<32xi32, #tpu.memory_space<hbm>>
    tpu.enqueue_dma source(%dma_start3A_199 : memref<32xi32, #tpu.memory_space<hbm>>) target(%dma_start3A_198 : memref<32xi32, #tpu.memory_space<vmem>>) target_semaphore(%arg8 : memref<!tpu.dma_semaphore, #tpu.memory_space<semaphore_mem>>)
    %mul3A_200 = arith.constant 32 : i32
    %mul3A_201 = arith.muli %add3A, %mul3A_200 : i32
    %add3A_202 = arith.constant 0 : i32
    %add3A_203 = arith.addi %add3A_202, %mul3A_201 : i32
    %dma_wait3A = arith.constant 0 : i32
    %dma_wait3A_204 = tpu.memref_slice %arg5[%dma_wait3A] : memref<640xi32, #tpu.memory_space<vmem>> -> memref<32xi32, #tpu.memory_space<vmem>>
    %dma_wait3A_205 = tpu.memref_slice %arg2[%add3A_203] : memref<20480xi32, #tpu.memory_space<hbm>> -> memref<32xi32, #tpu.memory_space<hbm>>
    %dma_wait3A_206 = arith.constant 0 : i32
    %dma_wait3A_207 = tpu.memref_slice %arg5[%dma_wait3A_206] : memref<640xi32, #tpu.memory_space<vmem>> -> memref<32xi32, #tpu.memory_space<vmem>>
    %dma_wait3A_208 = tpu.memref_slice %arg2[%add3A_203] : memref<20480xi32, #tpu.memory_space<hbm>> -> memref<32xi32, #tpu.memory_space<hbm>>
    tpu.wait_dma2 semaphore(%arg8 : memref<!tpu.dma_semaphore, #tpu.memory_space<semaphore_mem>>) src(%dma_wait3A_208 : memref<32xi32, #tpu.memory_space<hbm>>) dst(%dma_wait3A_207 : memref<32xi32, #tpu.memory_space<vmem>>)
    %mul3A_209 = arith.constant 32 : i32
    %mul3A_210 = arith.muli %add3A, %mul3A_209 : i32
    %add3A_211 = arith.constant 1024 : i32
    %add3A_212 = arith.addi %add3A_211, %mul3A_210 : i32
    %dma_wait3A_213 = arith.constant 32 : i32
    %dma_wait3A_214 = tpu.memref_slice %arg5[%dma_wait3A_213] : memref<640xi32, #tpu.memory_space<vmem>> -> memref<32xi32, #tpu.memory_space<vmem>>
    %dma_wait3A_215 = tpu.memref_slice %arg2[%add3A_212] : memref<20480xi32, #tpu.memory_space<hbm>> -> memref<32xi32, #tpu.memory_space<hbm>>
    %dma_wait3A_216 = arith.constant 32 : i32
    %dma_wait3A_217 = tpu.memref_slice %arg5[%dma_wait3A_216] : memref<640xi32, #tpu.memory_space<vmem>> -> memref<32xi32, #tpu.memory_space<vmem>>
    %dma_wait3A_218 = tpu.memref_slice %arg2[%add3A_212] : memref<20480xi32, #tpu.memory_space<hbm>> -> memref<32xi32, #tpu.memory_space<hbm>>
    tpu.wait_dma2 semaphore(%arg8 : memref<!tpu.dma_semaphore, #tpu.memory_space<semaphore_mem>>) src(%dma_wait3A_218 : memref<32xi32, #tpu.memory_space<hbm>>) dst(%dma_wait3A_217 : memref<32xi32, #tpu.memory_space<vmem>>)
    %mul3A_219 = arith.constant 32 : i32
    %mul3A_220 = arith.muli %add3A, %mul3A_219 : i32
    %add3A_221 = arith.constant 2048 : i32
    %add3A_222 = arith.addi %add3A_221, %mul3A_220 : i32
    %dma_wait3A_223 = arith.constant 64 : i32
    %dma_wait3A_224 = tpu.memref_slice %arg5[%dma_wait3A_223] : memref<640xi32, #tpu.memory_space<vmem>> -> memref<32xi32, #tpu.memory_space<vmem>>
    %dma_wait3A_225 = tpu.memref_slice %arg2[%add3A_222] : memref<20480xi32, #tpu.memory_space<hbm>> -> memref<32xi32, #tpu.memory_space<hbm>>
    %dma_wait3A_226 = arith.constant 64 : i32
    %dma_wait3A_227 = tpu.memref_slice %arg5[%dma_wait3A_226] : memref<640xi32, #tpu.memory_space<vmem>> -> memref<32xi32, #tpu.memory_space<vmem>>
    %dma_wait3A_228 = tpu.memref_slice %arg2[%add3A_222] : memref<20480xi32, #tpu.memory_space<hbm>> -> memref<32xi32, #tpu.memory_space<hbm>>
    tpu.wait_dma2 semaphore(%arg8 : memref<!tpu.dma_semaphore, #tpu.memory_space<semaphore_mem>>) src(%dma_wait3A_228 : memref<32xi32, #tpu.memory_space<hbm>>) dst(%dma_wait3A_227 : memref<32xi32, #tpu.memory_space<vmem>>)
    %mul3A_229 = arith.constant 32 : i32
    %mul3A_230 = arith.muli %add3A, %mul3A_229 : i32
    %add3A_231 = arith.constant 3072 : i32
    %add3A_232 = arith.addi %add3A_231, %mul3A_230 : i32
    %dma_wait3A_233 = arith.constant 96 : i32
    %dma_wait3A_234 = tpu.memref_slice %arg5[%dma_wait3A_233] : memref<640xi32, #tpu.memory_space<vmem>> -> memref<32xi32, #tpu.memory_space<vmem>>
    %dma_wait3A_235 = tpu.memref_slice %arg2[%add3A_232] : memref<20480xi32, #tpu.memory_space<hbm>> -> memref<32xi32, #tpu.memory_space<hbm>>
    %dma_wait3A_236 = arith.constant 96 : i32
    %dma_wait3A_237 = tpu.memref_slice %arg5[%dma_wait3A_236] : memref<640xi32, #tpu.memory_space<vmem>> -> memref<32xi32, #tpu.memory_space<vmem>>
    %dma_wait3A_238 = tpu.memref_slice %arg2[%add3A_232] : memref<20480xi32, #tpu.memory_space<hbm>> -> memref<32xi32, #tpu.memory_space<hbm>>
    tpu.wait_dma2 semaphore(%arg8 : memref<!tpu.dma_semaphore, #tpu.memory_space<semaphore_mem>>) src(%dma_wait3A_238 : memref<32xi32, #tpu.memory_space<hbm>>) dst(%dma_wait3A_237 : memref<32xi32, #tpu.memory_space<vmem>>)
    %mul3A_239 = arith.constant 32 : i32
    %mul3A_240 = arith.muli %add3A, %mul3A_239 : i32
    %add3A_241 = arith.constant 4096 : i32
    %add3A_242 = arith.addi %add3A_241, %mul3A_240 : i32
    %dma_wait3A_243 = arith.constant 128 : i32
    %dma_wait3A_244 = tpu.memref_slice %arg5[%dma_wait3A_243] : memref<640xi32, #tpu.memory_space<vmem>> -> memref<32xi32, #tpu.memory_space<vmem>>
    %dma_wait3A_245 = tpu.memref_slice %arg2[%add3A_242] : memref<20480xi32, #tpu.memory_space<hbm>> -> memref<32xi32, #tpu.memory_space<hbm>>
    %dma_wait3A_246 = arith.constant 128 : i32
    %dma_wait3A_247 = tpu.memref_slice %arg5[%dma_wait3A_246] : memref<640xi32, #tpu.memory_space<vmem>> -> memref<32xi32, #tpu.memory_space<vmem>>
    %dma_wait3A_248 = tpu.memref_slice %arg2[%add3A_242] : memref<20480xi32, #tpu.memory_space<hbm>> -> memref<32xi32, #tpu.memory_space<hbm>>
    tpu.wait_dma2 semaphore(%arg8 : memref<!tpu.dma_semaphore, #tpu.memory_space<semaphore_mem>>) src(%dma_wait3A_248 : memref<32xi32, #tpu.memory_space<hbm>>) dst(%dma_wait3A_247 : memref<32xi32, #tpu.memory_space<vmem>>)
    %mul3A_249 = arith.constant 32 : i32
    %mul3A_250 = arith.muli %add3A, %mul3A_249 : i32
    %add3A_251 = arith.constant 5120 : i32
    %add3A_252 = arith.addi %add3A_251, %mul3A_250 : i32
    %dma_wait3A_253 = arith.constant 160 : i32
    %dma_wait3A_254 = tpu.memref_slice %arg5[%dma_wait3A_253] : memref<640xi32, #tpu.memory_space<vmem>> -> memref<32xi32, #tpu.memory_space<vmem>>
    %dma_wait3A_255 = tpu.memref_slice %arg2[%add3A_252] : memref<20480xi32, #tpu.memory_space<hbm>> -> memref<32xi32, #tpu.memory_space<hbm>>
    %dma_wait3A_256 = arith.constant 160 : i32
    %dma_wait3A_257 = tpu.memref_slice %arg5[%dma_wait3A_256] : memref<640xi32, #tpu.memory_space<vmem>> -> memref<32xi32, #tpu.memory_space<vmem>>
    %dma_wait3A_258 = tpu.memref_slice %arg2[%add3A_252] : memref<20480xi32, #tpu.memory_space<hbm>> -> memref<32xi32, #tpu.memory_space<hbm>>
    tpu.wait_dma2 semaphore(%arg8 : memref<!tpu.dma_semaphore, #tpu.memory_space<semaphore_mem>>) src(%dma_wait3A_258 : memref<32xi32, #tpu.memory_space<hbm>>) dst(%dma_wait3A_257 : memref<32xi32, #tpu.memory_space<vmem>>)
    %mul3A_259 = arith.constant 32 : i32
    %mul3A_260 = arith.muli %add3A, %mul3A_259 : i32
    %add3A_261 = arith.constant 6144 : i32
    %add3A_262 = arith.addi %add3A_261, %mul3A_260 : i32
    %dma_wait3A_263 = arith.constant 192 : i32
    %dma_wait3A_264 = tpu.memref_slice %arg5[%dma_wait3A_263] : memref<640xi32, #tpu.memory_space<vmem>> -> memref<32xi32, #tpu.memory_space<vmem>>
    %dma_wait3A_265 = tpu.memref_slice %arg2[%add3A_262] : memref<20480xi32, #tpu.memory_space<hbm>> -> memref<32xi32, #tpu.memory_space<hbm>>
    %dma_wait3A_266 = arith.constant 192 : i32
    %dma_wait3A_267 = tpu.memref_slice %arg5[%dma_wait3A_266] : memref<640xi32, #tpu.memory_space<vmem>> -> memref<32xi32, #tpu.memory_space<vmem>>
    %dma_wait3A_268 = tpu.memref_slice %arg2[%add3A_262] : memref<20480xi32, #tpu.memory_space<hbm>> -> memref<32xi32, #tpu.memory_space<hbm>>
    tpu.wait_dma2 semaphore(%arg8 : memref<!tpu.dma_semaphore, #tpu.memory_space<semaphore_mem>>) src(%dma_wait3A_268 : memref<32xi32, #tpu.memory_space<hbm>>) dst(%dma_wait3A_267 : memref<32xi32, #tpu.memory_space<vmem>>)
    %mul3A_269 = arith.constant 32 : i32
    %mul3A_270 = arith.muli %add3A, %mul3A_269 : i32
    %add3A_271 = arith.constant 7168 : i32
    %add3A_272 = arith.addi %add3A_271, %mul3A_270 : i32
    %dma_wait3A_273 = arith.constant 224 : i32
    %dma_wait3A_274 = tpu.memref_slice %arg5[%dma_wait3A_273] : memref<640xi32, #tpu.memory_space<vmem>> -> memref<32xi32, #tpu.memory_space<vmem>>
    %dma_wait3A_275 = tpu.memref_slice %arg2[%add3A_272] : memref<20480xi32, #tpu.memory_space<hbm>> -> memref<32xi32, #tpu.memory_space<hbm>>
    %dma_wait3A_276 = arith.constant 224 : i32
    %dma_wait3A_277 = tpu.memref_slice %arg5[%dma_wait3A_276] : memref<640xi32, #tpu.memory_space<vmem>> -> memref<32xi32, #tpu.memory_space<vmem>>
    %dma_wait3A_278 = tpu.memref_slice %arg2[%add3A_272] : memref<20480xi32, #tpu.memory_space<hbm>> -> memref<32xi32, #tpu.memory_space<hbm>>
    tpu.wait_dma2 semaphore(%arg8 : memref<!tpu.dma_semaphore, #tpu.memory_space<semaphore_mem>>) src(%dma_wait3A_278 : memref<32xi32, #tpu.memory_space<hbm>>) dst(%dma_wait3A_277 : memref<32xi32, #tpu.memory_space<vmem>>)
    %mul3A_279 = arith.constant 32 : i32
    %mul3A_280 = arith.muli %add3A, %mul3A_279 : i32
    %add3A_281 = arith.constant 8192 : i32
    %add3A_282 = arith.addi %add3A_281, %mul3A_280 : i32
    %dma_wait3A_283 = arith.constant 256 : i32
    %dma_wait3A_284 = tpu.memref_slice %arg5[%dma_wait3A_283] : memref<640xi32, #tpu.memory_space<vmem>> -> memref<32xi32, #tpu.memory_space<vmem>>
    %dma_wait3A_285 = tpu.memref_slice %arg2[%add3A_282] : memref<20480xi32, #tpu.memory_space<hbm>> -> memref<32xi32, #tpu.memory_space<hbm>>
    %dma_wait3A_286 = arith.constant 256 : i32
    %dma_wait3A_287 = tpu.memref_slice %arg5[%dma_wait3A_286] : memref<640xi32, #tpu.memory_space<vmem>> -> memref<32xi32, #tpu.memory_space<vmem>>
    %dma_wait3A_288 = tpu.memref_slice %arg2[%add3A_282] : memref<20480xi32, #tpu.memory_space<hbm>> -> memref<32xi32, #tpu.memory_space<hbm>>
    tpu.wait_dma2 semaphore(%arg8 : memref<!tpu.dma_semaphore, #tpu.memory_space<semaphore_mem>>) src(%dma_wait3A_288 : memref<32xi32, #tpu.memory_space<hbm>>) dst(%dma_wait3A_287 : memref<32xi32, #tpu.memory_space<vmem>>)
    %mul3A_289 = arith.constant 32 : i32
    %mul3A_290 = arith.muli %add3A, %mul3A_289 : i32
    %add3A_291 = arith.constant 9216 : i32
    %add3A_292 = arith.addi %add3A_291, %mul3A_290 : i32
    %dma_wait3A_293 = arith.constant 288 : i32
    %dma_wait3A_294 = tpu.memref_slice %arg5[%dma_wait3A_293] : memref<640xi32, #tpu.memory_space<vmem>> -> memref<32xi32, #tpu.memory_space<vmem>>
    %dma_wait3A_295 = tpu.memref_slice %arg2[%add3A_292] : memref<20480xi32, #tpu.memory_space<hbm>> -> memref<32xi32, #tpu.memory_space<hbm>>
    %dma_wait3A_296 = arith.constant 288 : i32
    %dma_wait3A_297 = tpu.memref_slice %arg5[%dma_wait3A_296] : memref<640xi32, #tpu.memory_space<vmem>> -> memref<32xi32, #tpu.memory_space<vmem>>
    %dma_wait3A_298 = tpu.memref_slice %arg2[%add3A_292] : memref<20480xi32, #tpu.memory_space<hbm>> -> memref<32xi32, #tpu.memory_space<hbm>>
    tpu.wait_dma2 semaphore(%arg8 : memref<!tpu.dma_semaphore, #tpu.memory_space<semaphore_mem>>) src(%dma_wait3A_298 : memref<32xi32, #tpu.memory_space<hbm>>) dst(%dma_wait3A_297 : memref<32xi32, #tpu.memory_space<vmem>>)
    %mul3A_299 = arith.constant 32 : i32
    %mul3A_300 = arith.muli %add3A, %mul3A_299 : i32
    %add3A_301 = arith.constant 10240 : i32
    %add3A_302 = arith.addi %add3A_301, %mul3A_300 : i32
    %dma_wait3A_303 = arith.constant 320 : i32
    %dma_wait3A_304 = tpu.memref_slice %arg5[%dma_wait3A_303] : memref<640xi32, #tpu.memory_space<vmem>> -> memref<32xi32, #tpu.memory_space<vmem>>
    %dma_wait3A_305 = tpu.memref_slice %arg2[%add3A_302] : memref<20480xi32, #tpu.memory_space<hbm>> -> memref<32xi32, #tpu.memory_space<hbm>>
    %dma_wait3A_306 = arith.constant 320 : i32
    %dma_wait3A_307 = tpu.memref_slice %arg5[%dma_wait3A_306] : memref<640xi32, #tpu.memory_space<vmem>> -> memref<32xi32, #tpu.memory_space<vmem>>
    %dma_wait3A_308 = tpu.memref_slice %arg2[%add3A_302] : memref<20480xi32, #tpu.memory_space<hbm>> -> memref<32xi32, #tpu.memory_space<hbm>>
    tpu.wait_dma2 semaphore(%arg8 : memref<!tpu.dma_semaphore, #tpu.memory_space<semaphore_mem>>) src(%dma_wait3A_308 : memref<32xi32, #tpu.memory_space<hbm>>) dst(%dma_wait3A_307 : memref<32xi32, #tpu.memory_space<vmem>>)
    %mul3A_309 = arith.constant 32 : i32
    %mul3A_310 = arith.muli %add3A, %mul3A_309 : i32
    %add3A_311 = arith.constant 11264 : i32
    %add3A_312 = arith.addi %add3A_311, %mul3A_310 : i32
    %dma_wait3A_313 = arith.constant 352 : i32
    %dma_wait3A_314 = tpu.memref_slice %arg5[%dma_wait3A_313] : memref<640xi32, #tpu.memory_space<vmem>> -> memref<32xi32, #tpu.memory_space<vmem>>
    %dma_wait3A_315 = tpu.memref_slice %arg2[%add3A_312] : memref<20480xi32, #tpu.memory_space<hbm>> -> memref<32xi32, #tpu.memory_space<hbm>>
    %dma_wait3A_316 = arith.constant 352 : i32
    %dma_wait3A_317 = tpu.memref_slice %arg5[%dma_wait3A_316] : memref<640xi32, #tpu.memory_space<vmem>> -> memref<32xi32, #tpu.memory_space<vmem>>
    %dma_wait3A_318 = tpu.memref_slice %arg2[%add3A_312] : memref<20480xi32, #tpu.memory_space<hbm>> -> memref<32xi32, #tpu.memory_space<hbm>>
    tpu.wait_dma2 semaphore(%arg8 : memref<!tpu.dma_semaphore, #tpu.memory_space<semaphore_mem>>) src(%dma_wait3A_318 : memref<32xi32, #tpu.memory_space<hbm>>) dst(%dma_wait3A_317 : memref<32xi32, #tpu.memory_space<vmem>>)
    %mul3A_319 = arith.constant 32 : i32
    %mul3A_320 = arith.muli %add3A, %mul3A_319 : i32
    %add3A_321 = arith.constant 12288 : i32
    %add3A_322 = arith.addi %add3A_321, %mul3A_320 : i32
    %dma_wait3A_323 = arith.constant 384 : i32
    %dma_wait3A_324 = tpu.memref_slice %arg5[%dma_wait3A_323] : memref<640xi32, #tpu.memory_space<vmem>> -> memref<32xi32, #tpu.memory_space<vmem>>
    %dma_wait3A_325 = tpu.memref_slice %arg2[%add3A_322] : memref<20480xi32, #tpu.memory_space<hbm>> -> memref<32xi32, #tpu.memory_space<hbm>>
    %dma_wait3A_326 = arith.constant 384 : i32
    %dma_wait3A_327 = tpu.memref_slice %arg5[%dma_wait3A_326] : memref<640xi32, #tpu.memory_space<vmem>> -> memref<32xi32, #tpu.memory_space<vmem>>
    %dma_wait3A_328 = tpu.memref_slice %arg2[%add3A_322] : memref<20480xi32, #tpu.memory_space<hbm>> -> memref<32xi32, #tpu.memory_space<hbm>>
    tpu.wait_dma2 semaphore(%arg8 : memref<!tpu.dma_semaphore, #tpu.memory_space<semaphore_mem>>) src(%dma_wait3A_328 : memref<32xi32, #tpu.memory_space<hbm>>) dst(%dma_wait3A_327 : memref<32xi32, #tpu.memory_space<vmem>>)
    %mul3A_329 = arith.constant 32 : i32
    %mul3A_330 = arith.muli %add3A, %mul3A_329 : i32
    %add3A_331 = arith.constant 13312 : i32
    %add3A_332 = arith.addi %add3A_331, %mul3A_330 : i32
    %dma_wait3A_333 = arith.constant 416 : i32
    %dma_wait3A_334 = tpu.memref_slice %arg5[%dma_wait3A_333] : memref<640xi32, #tpu.memory_space<vmem>> -> memref<32xi32, #tpu.memory_space<vmem>>
    %dma_wait3A_335 = tpu.memref_slice %arg2[%add3A_332] : memref<20480xi32, #tpu.memory_space<hbm>> -> memref<32xi32, #tpu.memory_space<hbm>>
    %dma_wait3A_336 = arith.constant 416 : i32
    %dma_wait3A_337 = tpu.memref_slice %arg5[%dma_wait3A_336] : memref<640xi32, #tpu.memory_space<vmem>> -> memref<32xi32, #tpu.memory_space<vmem>>
    %dma_wait3A_338 = tpu.memref_slice %arg2[%add3A_332] : memref<20480xi32, #tpu.memory_space<hbm>> -> memref<32xi32, #tpu.memory_space<hbm>>
    tpu.wait_dma2 semaphore(%arg8 : memref<!tpu.dma_semaphore, #tpu.memory_space<semaphore_mem>>) src(%dma_wait3A_338 : memref<32xi32, #tpu.memory_space<hbm>>) dst(%dma_wait3A_337 : memref<32xi32, #tpu.memory_space<vmem>>)
    %mul3A_339 = arith.constant 32 : i32
    %mul3A_340 = arith.muli %add3A, %mul3A_339 : i32
    %add3A_341 = arith.constant 14336 : i32
    %add3A_342 = arith.addi %add3A_341, %mul3A_340 : i32
    %dma_wait3A_343 = arith.constant 448 : i32
    %dma_wait3A_344 = tpu.memref_slice %arg5[%dma_wait3A_343] : memref<640xi32, #tpu.memory_space<vmem>> -> memref<32xi32, #tpu.memory_space<vmem>>
    %dma_wait3A_345 = tpu.memref_slice %arg2[%add3A_342] : memref<20480xi32, #tpu.memory_space<hbm>> -> memref<32xi32, #tpu.memory_space<hbm>>
    %dma_wait3A_346 = arith.constant 448 : i32
    %dma_wait3A_347 = tpu.memref_slice %arg5[%dma_wait3A_346] : memref<640xi32, #tpu.memory_space<vmem>> -> memref<32xi32, #tpu.memory_space<vmem>>
    %dma_wait3A_348 = tpu.memref_slice %arg2[%add3A_342] : memref<20480xi32, #tpu.memory_space<hbm>> -> memref<32xi32, #tpu.memory_space<hbm>>
    tpu.wait_dma2 semaphore(%arg8 : memref<!tpu.dma_semaphore, #tpu.memory_space<semaphore_mem>>) src(%dma_wait3A_348 : memref<32xi32, #tpu.memory_space<hbm>>) dst(%dma_wait3A_347 : memref<32xi32, #tpu.memory_space<vmem>>)
    %mul3A_349 = arith.constant 32 : i32
    %mul3A_350 = arith.muli %add3A, %mul3A_349 : i32
    %add3A_351 = arith.constant 15360 : i32
    %add3A_352 = arith.addi %add3A_351, %mul3A_350 : i32
    %dma_wait3A_353 = arith.constant 480 : i32
    %dma_wait3A_354 = tpu.memref_slice %arg5[%dma_wait3A_353] : memref<640xi32, #tpu.memory_space<vmem>> -> memref<32xi32, #tpu.memory_space<vmem>>
    %dma_wait3A_355 = tpu.memref_slice %arg2[%add3A_352] : memref<20480xi32, #tpu.memory_space<hbm>> -> memref<32xi32, #tpu.memory_space<hbm>>
    %dma_wait3A_356 = arith.constant 480 : i32
    %dma_wait3A_357 = tpu.memref_slice %arg5[%dma_wait3A_356] : memref<640xi32, #tpu.memory_space<vmem>> -> memref<32xi32, #tpu.memory_space<vmem>>
    %dma_wait3A_358 = tpu.memref_slice %arg2[%add3A_352] : memref<20480xi32, #tpu.memory_space<hbm>> -> memref<32xi32, #tpu.memory_space<hbm>>
    tpu.wait_dma2 semaphore(%arg8 : memref<!tpu.dma_semaphore, #tpu.memory_space<semaphore_mem>>) src(%dma_wait3A_358 : memref<32xi32, #tpu.memory_space<hbm>>) dst(%dma_wait3A_357 : memref<32xi32, #tpu.memory_space<vmem>>)
    %mul3A_359 = arith.constant 32 : i32
    %mul3A_360 = arith.muli %add3A, %mul3A_359 : i32
    %add3A_361 = arith.constant 16384 : i32
    %add3A_362 = arith.addi %add3A_361, %mul3A_360 : i32
    %dma_wait3A_363 = arith.constant 512 : i32
    %dma_wait3A_364 = tpu.memref_slice %arg5[%dma_wait3A_363] : memref<640xi32, #tpu.memory_space<vmem>> -> memref<32xi32, #tpu.memory_space<vmem>>
    %dma_wait3A_365 = tpu.memref_slice %arg2[%add3A_362] : memref<20480xi32, #tpu.memory_space<hbm>> -> memref<32xi32, #tpu.memory_space<hbm>>
    %dma_wait3A_366 = arith.constant 512 : i32
    %dma_wait3A_367 = tpu.memref_slice %arg5[%dma_wait3A_366] : memref<640xi32, #tpu.memory_space<vmem>> -> memref<32xi32, #tpu.memory_space<vmem>>
    %dma_wait3A_368 = tpu.memref_slice %arg2[%add3A_362] : memref<20480xi32, #tpu.memory_space<hbm>> -> memref<32xi32, #tpu.memory_space<hbm>>
    tpu.wait_dma2 semaphore(%arg8 : memref<!tpu.dma_semaphore, #tpu.memory_space<semaphore_mem>>) src(%dma_wait3A_368 : memref<32xi32, #tpu.memory_space<hbm>>) dst(%dma_wait3A_367 : memref<32xi32, #tpu.memory_space<vmem>>)
    %mul3A_369 = arith.constant 32 : i32
    %mul3A_370 = arith.muli %add3A, %mul3A_369 : i32
    %add3A_371 = arith.constant 17408 : i32
    %add3A_372 = arith.addi %add3A_371, %mul3A_370 : i32
    %dma_wait3A_373 = arith.constant 544 : i32
    %dma_wait3A_374 = tpu.memref_slice %arg5[%dma_wait3A_373] : memref<640xi32, #tpu.memory_space<vmem>> -> memref<32xi32, #tpu.memory_space<vmem>>
    %dma_wait3A_375 = tpu.memref_slice %arg2[%add3A_372] : memref<20480xi32, #tpu.memory_space<hbm>> -> memref<32xi32, #tpu.memory_space<hbm>>
    %dma_wait3A_376 = arith.constant 544 : i32
    %dma_wait3A_377 = tpu.memref_slice %arg5[%dma_wait3A_376] : memref<640xi32, #tpu.memory_space<vmem>> -> memref<32xi32, #tpu.memory_space<vmem>>
    %dma_wait3A_378 = tpu.memref_slice %arg2[%add3A_372] : memref<20480xi32, #tpu.memory_space<hbm>> -> memref<32xi32, #tpu.memory_space<hbm>>
    tpu.wait_dma2 semaphore(%arg8 : memref<!tpu.dma_semaphore, #tpu.memory_space<semaphore_mem>>) src(%dma_wait3A_378 : memref<32xi32, #tpu.memory_space<hbm>>) dst(%dma_wait3A_377 : memref<32xi32, #tpu.memory_space<vmem>>)
    %mul3A_379 = arith.constant 32 : i32
    %mul3A_380 = arith.muli %add3A, %mul3A_379 : i32
    %add3A_381 = arith.constant 18432 : i32
    %add3A_382 = arith.addi %add3A_381, %mul3A_380 : i32
    %dma_wait3A_383 = arith.constant 576 : i32
    %dma_wait3A_384 = tpu.memref_slice %arg5[%dma_wait3A_383] : memref<640xi32, #tpu.memory_space<vmem>> -> memref<32xi32, #tpu.memory_space<vmem>>
    %dma_wait3A_385 = tpu.memref_slice %arg2[%add3A_382] : memref<20480xi32, #tpu.memory_space<hbm>> -> memref<32xi32, #tpu.memory_space<hbm>>
    %dma_wait3A_386 = arith.constant 576 : i32
    %dma_wait3A_387 = tpu.memref_slice %arg5[%dma_wait3A_386] : memref<640xi32, #tpu.memory_space<vmem>> -> memref<32xi32, #tpu.memory_space<vmem>>
    %dma_wait3A_388 = tpu.memref_slice %arg2[%add3A_382] : memref<20480xi32, #tpu.memory_space<hbm>> -> memref<32xi32, #tpu.memory_space<hbm>>
    tpu.wait_dma2 semaphore(%arg8 : memref<!tpu.dma_semaphore, #tpu.memory_space<semaphore_mem>>) src(%dma_wait3A_388 : memref<32xi32, #tpu.memory_space<hbm>>) dst(%dma_wait3A_387 : memref<32xi32, #tpu.memory_space<vmem>>)
    %mul3A_389 = arith.constant 32 : i32
    %mul3A_390 = arith.muli %add3A, %mul3A_389 : i32
    %add3A_391 = arith.constant 19456 : i32
    %add3A_392 = arith.addi %add3A_391, %mul3A_390 : i32
    %dma_wait3A_393 = arith.constant 608 : i32
    %dma_wait3A_394 = tpu.memref_slice %arg5[%dma_wait3A_393] : memref<640xi32, #tpu.memory_space<vmem>> -> memref<32xi32, #tpu.memory_space<vmem>>
    %dma_wait3A_395 = tpu.memref_slice %arg2[%add3A_392] : memref<20480xi32, #tpu.memory_space<hbm>> -> memref<32xi32, #tpu.memory_space<hbm>>
    %dma_wait3A_396 = arith.constant 608 : i32
    %dma_wait3A_397 = tpu.memref_slice %arg5[%dma_wait3A_396] : memref<640xi32, #tpu.memory_space<vmem>> -> memref<32xi32, #tpu.memory_space<vmem>>
    %dma_wait3A_398 = tpu.memref_slice %arg2[%add3A_392] : memref<20480xi32, #tpu.memory_space<hbm>> -> memref<32xi32, #tpu.memory_space<hbm>>
    tpu.wait_dma2 semaphore(%arg8 : memref<!tpu.dma_semaphore, #tpu.memory_space<semaphore_mem>>) src(%dma_wait3A_398 : memref<32xi32, #tpu.memory_space<hbm>>) dst(%dma_wait3A_397 : memref<32xi32, #tpu.memory_space<vmem>>)
    %dma_start3A_399 = arith.constant 0 : i32
    %dma_start3A_400 = arith.constant 0 : i32
    %dma_start3A_401 = tpu.memref_slice %arg6[%dma_start3A_399, %dma_start3A_400] : memref<640x128xf32, #tpu.memory_space<vmem>> -> memref<128x128xf32, #tpu.memory_space<vmem>>
    %dma_start3A_402 = arith.constant 0 : i32
    %dma_start3A_403 = tpu.memref_slice %arg5[%dma_start3A_402] : memref<640xi32, #tpu.memory_space<vmem>> -> memref<128xi32, #tpu.memory_space<vmem>>
    %dma_start3A_404 = arith.constant 0 : i32
    %dma_start3A_405 = arith.constant 0 : i32
    %dma_start3A_406 = tpu.memref_slice %arg3[%dma_start3A_404, %dma_start3A_405] : memref<100000x128xf32, #tpu.memory_space<hbm>> -> memref<100000x128xf32, #tpu.memory_space<hbm>>
    tpu.enqueue_indirect_dma source(%dma_start3A_406 : memref<100000x128xf32, #tpu.memory_space<hbm>>) target(%dma_start3A_401 : memref<128x128xf32, #tpu.memory_space<vmem>>) offsets(%dma_start3A_403 : memref<128xi32, #tpu.memory_space<vmem>>) semaphore(%arg9 : memref<!tpu.dma_semaphore, #tpu.memory_space<semaphore_mem>>)
    %dma_start3A_407 = arith.constant 128 : i32
    %dma_start3A_408 = arith.constant 0 : i32
    %dma_start3A_409 = tpu.memref_slice %arg6[%dma_start3A_407, %dma_start3A_408] : memref<640x128xf32, #tpu.memory_space<vmem>> -> memref<128x128xf32, #tpu.memory_space<vmem>>
    %dma_start3A_410 = arith.constant 128 : i32
    %dma_start3A_411 = tpu.memref_slice %arg5[%dma_start3A_410] : memref<640xi32, #tpu.memory_space<vmem>> -> memref<128xi32, #tpu.memory_space<vmem>>
    %dma_start3A_412 = arith.constant 0 : i32
    %dma_start3A_413 = arith.constant 0 : i32
    %dma_start3A_414 = tpu.memref_slice %arg3[%dma_start3A_412, %dma_start3A_413] : memref<100000x128xf32, #tpu.memory_space<hbm>> -> memref<100000x128xf32, #tpu.memory_space<hbm>>
    tpu.enqueue_indirect_dma source(%dma_start3A_414 : memref<100000x128xf32, #tpu.memory_space<hbm>>) target(%dma_start3A_409 : memref<128x128xf32, #tpu.memory_space<vmem>>) offsets(%dma_start3A_411 : memref<128xi32, #tpu.memory_space<vmem>>) semaphore(%arg9 : memref<!tpu.dma_semaphore, #tpu.memory_space<semaphore_mem>>)
    %dma_start3A_415 = arith.constant 256 : i32
    %dma_start3A_416 = arith.constant 0 : i32
    %dma_start3A_417 = tpu.memref_slice %arg6[%dma_start3A_415, %dma_start3A_416] : memref<640x128xf32, #tpu.memory_space<vmem>> -> memref<128x128xf32, #tpu.memory_space<vmem>>
    %dma_start3A_418 = arith.constant 256 : i32
    %dma_start3A_419 = tpu.memref_slice %arg5[%dma_start3A_418] : memref<640xi32, #tpu.memory_space<vmem>> -> memref<128xi32, #tpu.memory_space<vmem>>
    %dma_start3A_420 = arith.constant 0 : i32
    %dma_start3A_421 = arith.constant 0 : i32
    %dma_start3A_422 = tpu.memref_slice %arg3[%dma_start3A_420, %dma_start3A_421] : memref<100000x128xf32, #tpu.memory_space<hbm>> -> memref<100000x128xf32, #tpu.memory_space<hbm>>
    tpu.enqueue_indirect_dma source(%dma_start3A_422 : memref<100000x128xf32, #tpu.memory_space<hbm>>) target(%dma_start3A_417 : memref<128x128xf32, #tpu.memory_space<vmem>>) offsets(%dma_start3A_419 : memref<128xi32, #tpu.memory_space<vmem>>) semaphore(%arg9 : memref<!tpu.dma_semaphore, #tpu.memory_space<semaphore_mem>>)
    %dma_start3A_423 = arith.constant 384 : i32
    %dma_start3A_424 = arith.constant 0 : i32
    %dma_start3A_425 = tpu.memref_slice %arg6[%dma_start3A_423, %dma_start3A_424] : memref<640x128xf32, #tpu.memory_space<vmem>> -> memref<128x128xf32, #tpu.memory_space<vmem>>
    %dma_start3A_426 = arith.constant 384 : i32
    %dma_start3A_427 = tpu.memref_slice %arg5[%dma_start3A_426] : memref<640xi32, #tpu.memory_space<vmem>> -> memref<128xi32, #tpu.memory_space<vmem>>
    %dma_start3A_428 = arith.constant 0 : i32
    %dma_start3A_429 = arith.constant 0 : i32
    %dma_start3A_430 = tpu.memref_slice %arg3[%dma_start3A_428, %dma_start3A_429] : memref<100000x128xf32, #tpu.memory_space<hbm>> -> memref<100000x128xf32, #tpu.memory_space<hbm>>
    tpu.enqueue_indirect_dma source(%dma_start3A_430 : memref<100000x128xf32, #tpu.memory_space<hbm>>) target(%dma_start3A_425 : memref<128x128xf32, #tpu.memory_space<vmem>>) offsets(%dma_start3A_427 : memref<128xi32, #tpu.memory_space<vmem>>) semaphore(%arg9 : memref<!tpu.dma_semaphore, #tpu.memory_space<semaphore_mem>>)
    %dma_start3A_431 = arith.constant 512 : i32
    %dma_start3A_432 = arith.constant 0 : i32
    %dma_start3A_433 = tpu.memref_slice %arg6[%dma_start3A_431, %dma_start3A_432] : memref<640x128xf32, #tpu.memory_space<vmem>> -> memref<128x128xf32, #tpu.memory_space<vmem>>
    %dma_start3A_434 = arith.constant 512 : i32
    %dma_start3A_435 = tpu.memref_slice %arg5[%dma_start3A_434] : memref<640xi32, #tpu.memory_space<vmem>> -> memref<128xi32, #tpu.memory_space<vmem>>
    %dma_start3A_436 = arith.constant 0 : i32
    %dma_start3A_437 = arith.constant 0 : i32
    %dma_start3A_438 = tpu.memref_slice %arg3[%dma_start3A_436, %dma_start3A_437] : memref<100000x128xf32, #tpu.memory_space<hbm>> -> memref<100000x128xf32, #tpu.memory_space<hbm>>
    tpu.enqueue_indirect_dma source(%dma_start3A_438 : memref<100000x128xf32, #tpu.memory_space<hbm>>) target(%dma_start3A_433 : memref<128x128xf32, #tpu.memory_space<vmem>>) offsets(%dma_start3A_435 : memref<128xi32, #tpu.memory_space<vmem>>) semaphore(%arg9 : memref<!tpu.dma_semaphore, #tpu.memory_space<semaphore_mem>>)
    %dma_wait3A_439 = arith.constant 0 : i32
    %dma_wait3A_440 = arith.constant 0 : i32
    %dma_wait3A_441 = tpu.memref_slice %arg6[%dma_wait3A_439, %dma_wait3A_440] : memref<640x128xf32, #tpu.memory_space<vmem>> -> memref<128x128xf32, #tpu.memory_space<vmem>>
    %dma_wait3A_442 = arith.constant 0 : i32
    %dma_wait3A_443 = tpu.memref_slice %arg5[%dma_wait3A_442] : memref<640xi32, #tpu.memory_space<vmem>> -> memref<128xi32, #tpu.memory_space<vmem>>
    %dma_wait3A_444 = arith.constant 0 : i32
    %dma_wait3A_445 = arith.constant 0 : i32
    %dma_wait3A_446 = tpu.memref_slice %arg3[%dma_wait3A_444, %dma_wait3A_445] : memref<100000x128xf32, #tpu.memory_space<hbm>> -> memref<100000x128xf32, #tpu.memory_space<hbm>>
    tpu.wait_indirect_dma semaphore(%arg9 : memref<!tpu.dma_semaphore, #tpu.memory_space<semaphore_mem>>) src(%dma_wait3A_446 : memref<100000x128xf32, #tpu.memory_space<hbm>>) dst(%dma_wait3A_441 : memref<128x128xf32, #tpu.memory_space<vmem>>)
    %dma_wait3A_447 = arith.constant 128 : i32
    %dma_wait3A_448 = arith.constant 0 : i32
    %dma_wait3A_449 = tpu.memref_slice %arg6[%dma_wait3A_447, %dma_wait3A_448] : memref<640x128xf32, #tpu.memory_space<vmem>> -> memref<128x128xf32, #tpu.memory_space<vmem>>
    %dma_wait3A_450 = arith.constant 128 : i32
    %dma_wait3A_451 = tpu.memref_slice %arg5[%dma_wait3A_450] : memref<640xi32, #tpu.memory_space<vmem>> -> memref<128xi32, #tpu.memory_space<vmem>>
    %dma_wait3A_452 = arith.constant 0 : i32
    %dma_wait3A_453 = arith.constant 0 : i32
    %dma_wait3A_454 = tpu.memref_slice %arg3[%dma_wait3A_452, %dma_wait3A_453] : memref<100000x128xf32, #tpu.memory_space<hbm>> -> memref<100000x128xf32, #tpu.memory_space<hbm>>
    tpu.wait_indirect_dma semaphore(%arg9 : memref<!tpu.dma_semaphore, #tpu.memory_space<semaphore_mem>>) src(%dma_wait3A_454 : memref<100000x128xf32, #tpu.memory_space<hbm>>) dst(%dma_wait3A_449 : memref<128x128xf32, #tpu.memory_space<vmem>>)
    %dma_wait3A_455 = arith.constant 256 : i32
    %dma_wait3A_456 = arith.constant 0 : i32
    %dma_wait3A_457 = tpu.memref_slice %arg6[%dma_wait3A_455, %dma_wait3A_456] : memref<640x128xf32, #tpu.memory_space<vmem>> -> memref<128x128xf32, #tpu.memory_space<vmem>>
    %dma_wait3A_458 = arith.constant 256 : i32
    %dma_wait3A_459 = tpu.memref_slice %arg5[%dma_wait3A_458] : memref<640xi32, #tpu.memory_space<vmem>> -> memref<128xi32, #tpu.memory_space<vmem>>
    %dma_wait3A_460 = arith.constant 0 : i32
    %dma_wait3A_461 = arith.constant 0 : i32
    %dma_wait3A_462 = tpu.memref_slice %arg3[%dma_wait3A_460, %dma_wait3A_461] : memref<100000x128xf32, #tpu.memory_space<hbm>> -> memref<100000x128xf32, #tpu.memory_space<hbm>>
    tpu.wait_indirect_dma semaphore(%arg9 : memref<!tpu.dma_semaphore, #tpu.memory_space<semaphore_mem>>) src(%dma_wait3A_462 : memref<100000x128xf32, #tpu.memory_space<hbm>>) dst(%dma_wait3A_457 : memref<128x128xf32, #tpu.memory_space<vmem>>)
    %dma_wait3A_463 = arith.constant 384 : i32
    %dma_wait3A_464 = arith.constant 0 : i32
    %dma_wait3A_465 = tpu.memref_slice %arg6[%dma_wait3A_463, %dma_wait3A_464] : memref<640x128xf32, #tpu.memory_space<vmem>> -> memref<128x128xf32, #tpu.memory_space<vmem>>
    %dma_wait3A_466 = arith.constant 384 : i32
    %dma_wait3A_467 = tpu.memref_slice %arg5[%dma_wait3A_466] : memref<640xi32, #tpu.memory_space<vmem>> -> memref<128xi32, #tpu.memory_space<vmem>>
    %dma_wait3A_468 = arith.constant 0 : i32
    %dma_wait3A_469 = arith.constant 0 : i32
    %dma_wait3A_470 = tpu.memref_slice %arg3[%dma_wait3A_468, %dma_wait3A_469] : memref<100000x128xf32, #tpu.memory_space<hbm>> -> memref<100000x128xf32, #tpu.memory_space<hbm>>
    tpu.wait_indirect_dma semaphore(%arg9 : memref<!tpu.dma_semaphore, #tpu.memory_space<semaphore_mem>>) src(%dma_wait3A_470 : memref<100000x128xf32, #tpu.memory_space<hbm>>) dst(%dma_wait3A_465 : memref<128x128xf32, #tpu.memory_space<vmem>>)
    %dma_wait3A_471 = arith.constant 512 : i32
    %dma_wait3A_472 = arith.constant 0 : i32
    %dma_wait3A_473 = tpu.memref_slice %arg6[%dma_wait3A_471, %dma_wait3A_472] : memref<640x128xf32, #tpu.memory_space<vmem>> -> memref<128x128xf32, #tpu.memory_space<vmem>>
    %dma_wait3A_474 = arith.constant 512 : i32
    %dma_wait3A_475 = tpu.memref_slice %arg5[%dma_wait3A_474] : memref<640xi32, #tpu.memory_space<vmem>> -> memref<128xi32, #tpu.memory_space<vmem>>
    %dma_wait3A_476 = arith.constant 0 : i32
    %dma_wait3A_477 = arith.constant 0 : i32
    %dma_wait3A_478 = tpu.memref_slice %arg3[%dma_wait3A_476, %dma_wait3A_477] : memref<100000x128xf32, #tpu.memory_space<hbm>> -> memref<100000x128xf32, #tpu.memory_space<hbm>>
    tpu.wait_indirect_dma semaphore(%arg9 : memref<!tpu.dma_semaphore, #tpu.memory_space<semaphore_mem>>) src(%dma_wait3A_478 : memref<100000x128xf32, #tpu.memory_space<hbm>>) dst(%dma_wait3A_473 : memref<128x128xf32, #tpu.memory_space<vmem>>)
    %scan3A = arith.constant 0 : i32
    %scan3A_479 = arith.constant 0 : i32
    %scan3A_480 = arith.constant 32 : i32
    %scan3A_481 = arith.addi %scan3A_479, %scan3A_480 : i32
    %scan3A_482 = arith.constant 1 : i32
    scf.for %scan3A_486 = %scan3A_479 to %scan3A_481 step %scan3A_482  : i32 {
      %broadcast_in_dim3A = arith.constant 0.000000e+00 : f32
      %broadcast_in_dim3A_487 = vector.broadcast %broadcast_in_dim3A : f32 to vector<16xf32>
      %scan3A_488 = arith.constant 0 : i32
      %scan3A_489 = arith.constant 20 : i32
      %scan3A_490 = arith.addi %scan3A_488, %scan3A_489 : i32
      %scan3A_491 = arith.constant 1 : i32
      %scan3A_492 = scf.for %scan3A_496 = %scan3A_488 to %scan3A_490 step %scan3A_491 iter_args(%scan3A_497 = %broadcast_in_dim3A_487) -> (vector<16xf32>)  : i32 {
        %mul3A_498 = arith.constant 32 : i32
        %mul3A_499 = arith.muli %scan3A_496, %mul3A_498 : i32
        %add3A_500 = arith.addi %mul3A_499, %scan3A_486 : i32
        %get3A = arith.index_cast %add3A_500 : i32 to index
        %get3A_501 = arith.constant 0 : index
        %get3A_502 = tpu.vector_load %arg6[%get3A, %get3A_501] {strides = array<i32>} : memref<640x128xf32, #tpu.memory_space<vmem>>, vector<16xf32>,
        %add3A_503 = arith.addf %scan3A_497, %get3A_502 : vector<16xf32>
        scf.yield %add3A_503 : vector<16xf32>
      }
      %scan3A_493 = arith.constant 20 : i32
      %swap3A = arith.index_cast %scan3A_486 : i32 to index
      %swap3A_494 = arith.constant 0 : index
      %swap3A_495 = tpu.vector_load %arg7[%swap3A, %swap3A_494] {strides = array<i32>} : memref<32x128xf32, #tpu.memory_space<vmem>>, vector<16xf32>,
      tpu.vector_store %arg7[%swap3A, %swap3A_494], %scan3A_492 {strides = array<i32>} : memref<32x128xf32, #tpu.memory_space<vmem>>, vector<16xf32>,
    }
    %scan3A_483 = arith.constant 32 : i32
    %mul3A_484 = arith.constant 32 : i32
    %mul3A_485 = arith.muli %add3A, %mul3A_484 : i32
    "tpu.region"() ({
      %run_scoped3A = tpu.sem_alloc : memref<!tpu.dma_semaphore, #tpu.memory_space<semaphore_mem>>
      %dma_start3A_486 = arith.constant 0 : i32
      %dma_start3A_487 = tpu.memref_slice %arg4[%mul3A_485, %dma_start3A_486] : memref<1024x128xf32, #tpu.memory_space<hbm>> -> memref<32x128xf32, #tpu.memory_space<hbm>>
      %dma_start3A_488 = arith.constant 0 : i32
      %dma_start3A_489 = tpu.memref_slice %arg4[%mul3A_485, %dma_start3A_488] : memref<1024x128xf32, #tpu.memory_space<hbm>> -> memref<32x128xf32, #tpu.memory_space<hbm>>
      tpu.enqueue_dma source(%arg7 : memref<32x128xf32, #tpu.memory_space<vmem>>) target(%dma_start3A_489 : memref<32x128xf32, #tpu.memory_space<hbm>>) target_semaphore(%run_scoped3A : memref<!tpu.dma_semaphore, #tpu.memory_space<semaphore_mem>>)
      %dma_wait3A_490 = arith.constant 0 : i32
      %dma_wait3A_491 = tpu.memref_slice %arg4[%mul3A_485, %dma_wait3A_490] : memref<1024x128xf32, #tpu.memory_space<hbm>> -> memref<32x128xf32, #tpu.memory_space<hbm>>
      %dma_wait3A_492 = arith.constant 0 : i32
      %dma_wait3A_493 = tpu.memref_slice %arg4[%mul3A_485, %dma_wait3A_492] : memref<1024x128xf32, #tpu.memory_space<hbm>> -> memref<32x128xf32, #tpu.memory_space<hbm>>
      tpu.wait_dma2 semaphore(%run_scoped3A : memref<!tpu.dma_semaphore, #tpu.memory_space<semaphore_mem>>) src(%arg7 : memref<32x128xf32, #tpu.memory_space<vmem>>) dst(%dma_wait3A_493 : memref<32x128xf32, #tpu.memory_space<hbm>>)
      tpu.yield
    }) : () -> ()
    return
  }
}

module attributes {stable_mosaic.version = 14 : i64} {
  func.func @_prep_body(%arg0: i32, %arg1: memref<16x4096xf32, #tpu.memory_space<vmem>>, %arg2: memref<4096x128xf32, #tpu.memory_space<vmem>>) attributes {dimension_semantics = [#tpu.dimension_semantics<parallel>], iteration_bounds = array<i64: 25>, scalar_prefetch = 0 : i64, scratch_operands = 0 : i64, tpu.core_type = #tpu.core_type<tc>, window_params = [{transform_indices = @transform_0, window_bounds = array<i64: 16, 4096>}, {transform_indices = @transform_1, window_bounds = array<i64: 4096, 128>}]} {
    %get3A = arith.constant 0 : index
    %get3A_0 = arith.constant 0 : index
    %get3A_1 = vector.load %arg1[%get3A, %get3A_0] : memref<16x4096xf32, #tpu.memory_space<vmem>>, vector<16x4096xf32>
    %mul3A = arith.mulf %get3A_1, %get3A_1 : vector<16x4096xf32>
    %reduce_sum3A = arith.constant dense<0.000000e+00> : vector<4096xf32>
    %reduce_sum3A_2 = vector.multi_reduction <add>, %mul3A, %reduce_sum3A [0] : vector<16x4096xf32> to vector<4096xf32>
    %broadcast_in_dim3A = vector.shape_cast %reduce_sum3A_2 : vector<4096xf32> to vector<1x4096xf32>
    %sqrt3A = math.sqrt %broadcast_in_dim3A : vector<1x4096xf32>
    %gt3A = arith.constant 1.000000e+00 : f32
    %gt3A_3 = vector.broadcast %gt3A : f32 to vector<1x4096xf32>
    %gt3A_4 = arith.cmpf ogt, %broadcast_in_dim3A, %gt3A_3 : vector<1x4096xf32>
    %add3A = arith.constant 1.000000e-07 : f32
    %add3A_5 = vector.broadcast %add3A : f32 to vector<1x4096xf32>
    %add3A_6 = arith.addf %sqrt3A, %add3A_5 : vector<1x4096xf32>
    %div3A = arith.constant 1.000000e+00 : f32
    %div3A_7 = vector.broadcast %div3A : f32 to vector<1x4096xf32>
    %div3A_8 = arith.divf %div3A_7, %add3A_6 : vector<1x4096xf32>
    %jit3A = arith.constant 1.000000e+00 : f32
    %broadcast_in_dim3A_9 = vector.broadcast %jit3A : f32 to vector<1x4096xf32>
    %select_n3A = arith.select %gt3A_4, %div3A_8, %broadcast_in_dim3A_9 : vector<1x4096xi1>, vector<1x4096xf32>
    %mul3A_10 = vector.broadcast %select_n3A : vector<1x4096xf32> to vector<16x4096xf32>
    %mul3A_11 = arith.mulf %get3A_1, %mul3A_10 : vector<16x4096xf32>
    %transpose3A = tpu.transpose %mul3A_11, [1, 0] : vector<16x4096xf32> -> vector<4096x16xf32>
    %swap3A = arith.constant 0 : index
    %swap3A_12 = arith.constant 0 : index
    %swap3A_13 = vector.load %arg2[%swap3A, %swap3A_12] : memref<4096x128xf32, #tpu.memory_space<vmem>>, vector<4096x16xf32>
    tpu.vector_store %arg2[%swap3A, %swap3A_12], %transpose3A {strides = array<i32>} : memref<4096x128xf32, #tpu.memory_space<vmem>>, vector<4096x16xf32>,
    return
  }
  func.func @transform_0(%arg0: i32) -> (i32, i32) {
    %c0_i32 = arith.constant 0 : i32
    %c0_i32_0 = arith.constant 0 : i32
    return %c0_i32, %arg0 : i32, i32
  }
  func.func @transform_1(%arg0: i32) -> (i32, i32) {
    %c0_i32 = arith.constant 0 : i32
    %c0_i32_0 = arith.constant 0 : i32
    return %arg0, %c0_i32 : i32, i32
  }
}

module attributes {stable_mosaic.version = 14 : i64} {
  func.func @_mm_body(%arg0: i32, %arg1: memref<16x2048xf32, #tpu.memory_space<vmem>>, %arg2: memref<1024x128xf32, #tpu.memory_space<vmem>>, %arg3: memref<1x2048xf32, #tpu.memory_space<vmem>>, %arg4: memref<2048x1024xf32, #tpu.memory_space<vmem>>) attributes {dimension_semantics = [#tpu.dimension_semantics<parallel>], iteration_bounds = array<i64: 49>, scalar_prefetch = 0 : i64, scratch_operands = 0 : i64, tpu.core_type = #tpu.core_type<tc>, window_params = [{transform_indices = @transform_0, window_bounds = array<i64: 16, 2048>}, {pipeline_mode = #tpu.pipeline_mode<synchronous>, transform_indices = @transform_1, window_bounds = array<i64: 1024, 128>}, {transform_indices = @transform_2, window_bounds = array<i64: 1, 2048>}, {transform_indices = @transform_3, window_bounds = array<i64: 2048, 1024>}]} {
    %get3A = arith.constant 0 : index
    %get3A_0 = arith.constant 0 : index
    %get3A_1 = vector.load %arg1[%get3A, %get3A_0] : memref<16x2048xf32, #tpu.memory_space<vmem>>, vector<16x2048xf32>
    %get3A_2 = arith.constant 0 : index
    %get3A_3 = arith.constant 0 : index
    %get3A_4 = vector.load %arg3[%get3A_2, %get3A_3] : memref<1x2048xf32, #tpu.memory_space<vmem>>, vector<1x2048xf32>
    %concatenate3A = tpu.concatenate %get3A_1, %get3A_4 in 0 : vector<16x2048xf32>, vector<1x2048xf32> -> vector<17x2048xf32>
    %get3A_5 = arith.constant 0 : index
    %get3A_6 = arith.constant 0 : index
    %get3A_7 = vector.load %arg2[%get3A_5, %get3A_6] : memref<1024x128xf32, #tpu.memory_space<vmem>>, vector<1024x16xf32>
    %mul3A = arith.constant 5.000000e-02 : f32
    %mul3A_8 = vector.broadcast %mul3A : f32 to vector<1024x16xf32>
    %mul3A_9 = arith.mulf %get3A_7, %mul3A_8 : vector<1024x16xf32>
    %broadcast_in_dim3A = arith.constant 1.000000e+00 : f32
    %broadcast_in_dim3A_10 = vector.broadcast %broadcast_in_dim3A : f32 to vector<1024x1xf32>
    %concatenate3A_11 = tpu.concatenate %mul3A_9, %broadcast_in_dim3A_10 in 1 : vector<1024x16xf32>, vector<1024x1xf32> -> vector<1024x17xf32>
    %dot_general3A = arith.constant dense<0.000000e+00> : vector<2048x1024xf32>
    %dot_general3A_12 = tpu.matmul %concatenate3A, %concatenate3A_11, %dot_general3A {dimension_numbers = #tpu.dot_dimension_numbers<[0], [1], [1], [0], [0, 1, 1, 0], [], []>, transpose_lhs_hint = true} : vector<17x2048xf32>, vector<1024x17xf32>, vector<2048x1024xf32> -> vector<2048x1024xf32>
    %swap3A = arith.constant 0 : index
    %swap3A_13 = arith.constant 0 : index
    %swap3A_14 = vector.load %arg4[%swap3A, %swap3A_13] : memref<2048x1024xf32, #tpu.memory_space<vmem>>, vector<2048x1024xf32>
    tpu.vector_store %arg4[%swap3A, %swap3A_13], %dot_general3A_12 {strides = array<i32>} : memref<2048x1024xf32, #tpu.memory_space<vmem>>, vector<2048x1024xf32>,
    return
  }
  func.func @transform_0(%arg0: i32) -> (i32, i32) {
    %c0_i32 = arith.constant 0 : i32
    %c0_i32_0 = arith.constant 0 : i32
    return %c0_i32, %arg0 : i32, i32
  }
  func.func @transform_1(%arg0: i32) -> (i32, i32) {
    %c0_i32 = arith.constant 0 : i32
    %c0_i32_0 = arith.constant 0 : i32
    %c0_i32_1 = arith.constant 0 : i32
    return %c0_i32, %c0_i32_0 : i32, i32
  }
  func.func @transform_2(%arg0: i32) -> (i32, i32) {
    %c0_i32 = arith.constant 0 : i32
    %c0_i32_0 = arith.constant 0 : i32
    return %c0_i32, %arg0 : i32, i32
  }
  func.func @transform_3(%arg0: i32) -> (i32, i32) {
    %c0_i32 = arith.constant 0 : i32
    %c0_i32_0 = arith.constant 0 : i32
    return %arg0, %c0_i32 : i32, i32
  }
}

</mosaic_0001>

<sc_bundles>
// kernel: kernel.5.cloned.1.call-start
scs
__scs_entry_jumppad:
0x0: {  	(pc) =	sbr.rel $0x88, $3  }
0x1: {  	(tag) =	ssettag $0x0;
	lr =	simm.s32 $0x1  }
0x2: {  	[smem:$0x3F9D] =	sst lr;
	_ =	strace $0xD0000000  }
0x3: {  	_ = 	snop  }
0x4: {  	_ = 	snop  }
0x5: {  	_ = 	snop  }
0x6: {  	_ = 	snop  }
0x7: {  	_ = 	snop  }
__scs_overlays_trampoline_lowered:
0x8: {  	[smem:$0x3FAC] =	sst s0  }
0x9: {  	[smem:$0x3FAD] =	sst s1  }
0xa: {  	[smem:$0x3FAE] =	sst s2  }
0xb: {  	[smem:$0x3FAF] =	sst s3  }
0xc: {  	[smem:$0x3FB0] =	sst s4  }
0xd: {  	[smem:$0x3FB1] =	sst s5  }
0xe: {  	[smem:$0x3FB2] =	sst s6  }
0xf: {  	[smem:$0x3FB3] =	sst s7  }
0x10: {  	[smem:$0x3FB4] =	sst s8  }
0x11: {  	[smem:$0x3FB5] =	sst s9;
	s0 =	simm.s32 @!p0 $0x0  }
0x12: {  	s1 =	sld [smem:$0x3F9B];
	s0 =	simm.s32 @p0 $0x1  }
0x13: {  	[smem:$0x3FB6] =	sst s0;
	s0 =	simm.s32 @!p1 $0x0  }
0x14: {  	s2 =	sld [smem:$0x3F9A];
	s0 =	simm.s32 @p1 $0x1  }
0x15: {  	[smem:$0x3FB7] =	sst s0;
	s0 =	simm.s32 @!p2 $0x0  }
0x16: {  	s3 =	sld [smem:$0x3FDB];
	s0 =	simm.s32 @p2 $0x1  }
0x17: {  	s4 =	simm.s32 $0x1BF5;
	[smem:$0x3FB9] =	sst s0  }
0x18: {  	s0 =	sld [smem:$0x3F9C];
	_ =	swait.ge [sflag:s4], $0x0  }
0x19: {  	s7 =	sld [smem:$0x3F9D]  }
0x1a: {  	s8 =	sadd.s32 $0xFFFFE003, lr  }
0x1b: {  	s9 =	sadd.s32 $0xFFFFFEF7, lr;
	s5 =	simm.s32 $0xFFFFFFFF;
	p2 =	slt.u32 s8, $0xFFFFF086  }
0x1c: {  	p1 =	slt.u32 s9, $0xF7A;
	s5 =	simm.s32 @!p2 $0x0  }
0x1d: {  	s5 =	simm.s32 @p1 $0x1;
	p0 =	seq.s32 s7, s2  }
0x1e: {  	s7 =	smul.u32 @!p0 $0xF7A, s2;
	p2 =	seq.s32 @!p0 s5, $0x0  }
0x1f: {  	s9 =	smul.u32 $0xF7A, s1;
	s8 =	simm.s32 @!p0 $0x1BF5;
	p2 =	por !p2, p0  }
0x20: {  	[sflag:s8] =	ssyncset.s32 @!p0 $0xFFFFF086;
	s6 =	sadd.s32 @!p0 s3, s7;
	s7 =	simm.s32 @!p0 $0x108  }
0x21: {  	s3 =	sadd.s32 s3, s9;
	s6 =	sadd.s32 @!p0 $0x88, s6;
	s7 =	simm.s32 @p2 $0x1082  }
0x22: {  	[simem:s7], [sflag:s8] =	dma.local @!p0 [hbm:s6], $0xF7A  }
0x23: {  	s9 =	sor.u32 $0xD0000000, s2;
	s6 =	simm.s32 $0x108;
	_ =	swait.ge @!p0 [sflag:s8], $0x0  }
0x24: {  	s3 =	sadd.s32 $0x88, s3;
	s6 =	simm.s32 @!p1 $0x1082;
	[sflag:s4] =	ssyncset.s32 $0xFFFFF086  }
0x25: {  	[simem:s6], [sflag:s4] =	dma.local [hbm:s3], $0xF7A  }
0x26: {  	[smem:$0x3F9D] =	sst s1;
	(tag) =	ssettag s2;
	_ =	strace s9  }
0x27: {  	s1 =	sld [smem:$0x3FAD]  }
0x28: {  	s2 =	sld [smem:$0x3FAE]  }
0x29: {  	s4 =	sld [smem:$0x3FB0]  }
0x2a: {  	p0 =	seq.s32 s5, $0x0;
	s5 =	sld [smem:$0x3FB1]  }
0x2b: {  	s6 =	sld [smem:$0x3FB2]  }
0x2c: {  	s7 =	sld [smem:$0x3FB3]  }
0x2d: {  	s3 =	simm.s32 $0x108;
	s8 =	sld [smem:$0x3FB4]  }
0x2e: {  	s3 =	simm.s32 @!p0 $0x1082;
	s9 =	sld [smem:$0x3FB5]  }
0x2f: {  	lr =	sadd.s32 s0, s3;
	s0 =	sld [smem:$0x3FAC]  }
0x30: {  	s3 =	sld [smem:$0x3FAF]  }
0x31: {  	[smem:$0x3FB8] =	sst s10  }
0x32: {  	s10 =	sld [smem:$0x3FB6];
	_ =	sdelay $0x3  }
0x33: {  	p0 =	seq.s32 s10, $0x1;
	s10 =	sld [smem:$0x3FB8];
	_ =	sdelay $0x3  }
0x34: {  	[smem:$0x3FB8] =	sst s10  }
0x35: {  	s10 =	sld [smem:$0x3FB7];
	_ =	sdelay $0x3  }
0x36: {  	p1 =	seq.s32 s10, $0x1;
	s10 =	sld [smem:$0x3FB8];
	_ =	sdelay $0x3  }
0x37: {  	[smem:$0x3FB8] =	sst s10  }
0x38: {  	s10 =	sld [smem:$0x3FB9]  }
0x39: {  	_ = 	snop;
	(pc) =	sbr.ind lr, $3  }
0x3a: {  	_ = 	snop  }
0x3b: {  	_ = 	snop  }
0x3c: {  	p2 =	seq.s32 s10, $0x1;
	s10 =	sld [smem:$0x3FB8]  }
0x3d: {  	_ =	shalt  }
0x3e: {  	_ =	shalt  }
0x3f: {  	_ =	shalt  }
0x40: {  	_ =	shalt  }
0x41: {  	_ =	shalt  }
0x42: {  	_ =	shalt  }
0x43: {  	_ =	shalt  }
0x44: {  	_ =	shalt  }
0x45: {  	_ =	shalt  }
0x46: {  	_ =	shalt  }
0x47: {  	_ =	shalt  }
0x48: {  	_ =	shalt  }
0x49: {  	_ =	shalt  }
0x4a: {  	_ =	shalt  }
0x4b: {  	_ =	shalt  }
0x4c: {  	_ =	shalt  }
0x4d: {  	_ =	shalt  }
0x4e: {  	_ =	shalt  }
0x4f: {  	_ =	shalt  }
0x50: {  	_ =	shalt  }
0x51: {  	_ =	shalt  }
0x52: {  	_ =	shalt  }
0x53: {  	_ =	shalt  }
0x54: {  	_ =	shalt  }
0x55: {  	_ =	shalt  }
0x56: {  	_ =	shalt  }
0x57: {  	_ =	shalt  }
0x58: {  	_ =	shalt  }
0x59: {  	_ =	shalt  }
0x5a: {  	_ =	shalt  }
0x5b: {  	_ =	shalt  }
0x5c: {  	_ =	shalt  }
0x5d: {  	_ =	shalt  }
0x5e: {  	_ =	shalt  }
0x5f: {  	_ =	shalt  }
0x60: {  	_ =	shalt  }
0x61: {  	_ =	shalt  }
0x62: {  	_ =	shalt  }
0x63: {  	_ =	shalt  }
0x64: {  	_ =	shalt  }
0x65: {  	_ =	shalt  }
0x66: {  	_ =	shalt  }
0x67: {  	_ =	shalt  }
0x68: {  	_ =	shalt  }
0x69: {  	_ =	shalt  }
0x6a: {  	_ =	shalt  }
0x6b: {  	_ =	shalt  }
0x6c: {  	_ =	shalt  }
0x6d: {  	_ =	shalt  }
0x6e: {  	_ =	shalt  }
0x6f: {  	_ =	shalt  }
0x70: {  	_ =	shalt  }
0x71: {  	_ =	shalt  }
0x72: {  	_ =	shalt  }
0x73: {  	_ =	shalt  }
0x74: {  	_ =	shalt  }
0x75: {  	_ =	shalt  }
0x76: {  	_ =	shalt  }
0x77: {  	_ =	shalt  }
0x78: {  	_ =	shalt  }
0x79: {  	_ =	shalt  }
0x7a: {  	_ =	shalt  }
0x7b: {  	_ =	shalt  }
0x7c: {  	_ =	shalt  }
0x7d: {  	_ =	shalt  }
0x7e: {  	_ =	shalt  }
0x7f: {  	_ =	shalt  }
0x80: {  	_ =	shalt  }
0x81: {  	_ =	shalt  }
0x82: {  	_ =	shalt  }
0x83: {  	_ =	shalt  }
0x84: {  	_ =	shalt  }
0x85: {  	_ =	shalt  }
0x86: {  	_ =	shalt  }
0x87: {  	_ =	shalt  }
.Lfunc_end0:
.L_simem_size_0:
called_computation_lowered:
.L_overlay_start_0:
0x88: {  	s2 =	sld [smem:$0x3FD9]  }
0x89: {  	s3 =	sld [smem:$0x3FFE];
	_ =	sdelay $0x1  }
0x8a: {  	s1 =	srdreg.scid  }
0x8b: {  	s0 =	sand.u32 $0x1, s1  }
0x8c: {  	s17 =	sshll.u32 s0, $0xA;
	s2 =	sadd.s32 s3, s2  }
0x8d: {  	s2 =	sadd.s32 s2, s17  }
0x8e: {  	[smem:$0x3FC4] =	sst s2  }
0x8f: {  	_ = 	snop  }
0x90: {  	s2 =	sld [smem:$0x3FD0];
	(tm) =	ssettm $0x1  }
0x91: {  	s18 =	sld [smem:$0x3FFB];
	_ =	sdelay $0x3  }
0x92: {  	_ =	strace s18  }
0x93: {  	s3 =	sld [smem:$0x3FFC];
	_ =	sdelay $0x3  }
0x94: {  	_ =	strace s3  }
0x95: {  	s3 =	sld [smem:$0x3FFD];
	_ =	sdelay $0x3  }
0x96: {  	_ =	strace s3  }
0x97: {  	_ =	strace $0x8FFFFFFF  }
0x98: {  	s19 =	sld [smem:$0x3FDB];
	_ =	sdelay $0x1  }
0x99: {  	s4 =	simm.s32 $_scs_section_size  }
0x9a: {  	s5 =	simm.s32 $_size__tile_overlayer_lowered;
	s6 =	simm.s32 $_tile_overlayer_lowered  }
0x9b: {  	s22 =	simm.s32 $0x1BFF;
	s21 =	sshll.u32 s6, $0x1;
	s3 =	sadd.s32 s4, s19  }
0x9c: {  	s7 =	simm.s32 $0x0;
	s20 =	sshll.u32 s5, $0x1;
	s5 =	sadd.s32 s21, s3  }
0x9d: {  	[timem:s7], [sflag:s22] =	dma.local [hbm:s5], s20  }
0x9e: {  	_ =	swait.ge [sflag:s22], s20  }
0x9f: {  	s4 =	ssub.s32 $0x0, s20;
	[sflag:s22] =	ssyncset.done $0x0  }
0xa0: {  	[sflag:s22] =	ssyncadd.s32 s4;
	_ =	sdelay $0x1  }
0xa1: {  	s23 =	simm.s32 $0x1B8B  }
0xa2: {  	_ =	swait.ge [sflag:s23], $0x1  }
0xa3: {  	[sflag:s23] =	ssyncset.done $0x0  }
0xa4: {  	s25 =	simm.s32 $0x1B8E;
	s24 =	sld [smem:$0x3FFE];
	[sflag:s23] =	ssyncadd.s32 $0xFFFFFFFF  }
0xa5: {  	s26 =	simm.s32 $execute0_lowered;
	[smem:$0x3FD2] =	sst s25  }
0xa6: {  	s5 =	sshll.u32 s26, $0x1;
	_ =	strace $0x80000046;
	[dreg:$0x1] =	wrdreg $0xFFFFFFFF  }
0xa7: {  	s28 =	simm.s32 $_size_execute0_lowered;
	s3 =	sadd.s32 s3, s5;
	[dreg:$0x0] =	wrdreg $0x0  }
0xa8: {  	s5 =	sshll.u32 s28, $0x1;
	[dreg:$0x2] =	wrdreg s3  }
0xa9: {  	[dreg:$0x3] =	wrdreg s5  }
0xaa: {  	[dreg:$0x4] =	wrdreg $0xC0  }
0xab: {  	_ =	task [dreg:s7], $0x5FFFF  }
0xac: {  	[dreg:$0x1] =	wrdreg $0xFFFFFFFF  }
0xad: {  	[dreg:$0x0] =	wrdreg $0x60  }
0xae: {  	[dreg:$0x2] =	wrdreg s24  }
0xaf: {  	[dreg:$0x3] =	wrdreg s2  }
0xb0: {  	[dreg:$0x4] =	wrdreg $0x9  }
0xb1: {  	_ =	task.clear_ibuf [dreg:s7], $0x5FFFF;
	_ =	strace $0x90000046  }
0xb2: {  	s29 =	simm.s32 $0x9;
	_ =	strace $0x80000048  }
0xb3: {  	_ =	swait.ge [sflag:s29], $0x1  }
0xb4: {  	[sflag:s29] =	ssyncadd.s32 $0xFFFFFFFF  }
0xb5: {  	_ =	strace $0x90000048  }
0xb6: {  	_ =	sfence  }
0xb7: {  	s30 =	sld [smem:$0x0];
	_ =	sdelay $0x2  }
0xb8: {  	s31 =	sshll.u32 s1, $0xD;
	s1 =	sshrl.u32 s1, $0x2  }
0xb9: {  	s3 =	sand.u32 $0x4000, s31;
	s1 =	sadd.s32 s1, s30  }
0xba: {  	s0 =	sor.u32 s3, s0;
	s1 =	sshll.u32 s1, $0x11  }
0xbb: {  	s0 =	sor.u32 s1, s0  }
0xbc: {  	s0 =	sadd.s32 $0x8F2B, s0  }
0xbd: {  	[sflag:s0] =	ssyncadd.remote.s32 $0x1  }
0xbe: {  	_ =	sfence.sel $0xFFFF  }
0xbf: {  	[dreg:$0x0] =	wrdreg $0xFFFFFFFF;
	(pc) =	sbr.abs _section_cstart, $3  }
0xc0: {  	[dreg:$0x1] =	wrdreg $0xFFFFFFFF  }
0xc1: {  	_ =	task.clear_ibuf [dreg:s7], $0x2FFFF;
	_ =	strace $0x9FFFFFFF  }
0xc2: {  	(tm) =	ssettm $0x7FFFFFFF  }
0xc3: {  	_ =	shalt  }
tec
execute0_lowered:
.L_overlay_start_1:
0x0: {  	(tag) =	ssettag $0x1  }
0x1: {  	s0 =	rddreg [dreg:$0x0]  }
0x2: {  	s2 =	rddreg [dreg:$0x1]  }
0x3: {  	s1 =	srdreg.scid;
	s3 =	simm.s32 $0x0;
	s4 =	stileid.u32  }
0x4: {  	s30 =	simm.s32 $0x80;
	s31 =	simm.s32 $0x200;
	s29 =	simm.s32 $0x2  }
0x5: {  	s28 =	simm.s32 $0x3;
	s1 =	sand.u32 $0x1, s1;
	[smem:$0x7FF] =	sst s3  }
0x6: {  	s4 =	sshll.u32 s4, $0x6;
	s5 =	sshll.u32 s1, $0x5;
	s1 =	ssub.s32 $0x2, s1  }
0x7: {  	_ =	strace $0x80000047;
	s4 =	sor.u32 s5, s4;
	s6 =	sshrl.u32 s1, $0x1  }
0x8: {  	s5 =	sshrl.u32 s4, $0x3;
	s4 =	sshll.u32 s4, $0x4;
	s1 =	ssub.s32 s1, s6  }
0x9: {  	s5 =	sadd.s32 s5, s0;
	s0 =	sadd.s32 s4, s0;
	s4 =	simm.s32 $0x0  }
0xa: {  	s22 =	sadd.s32 $0x1200, s5;
	s23 =	sadd.s32 $0x1280, s5;
	s24 =	sadd.s32 $0x1300, s5  }
0xb: {  	s25 =	sadd.s32 $0x1380, s5;
	s26 =	sadd.s32 $0x1400, s5;
	s9 =	sadd.s32 $0x1480, s5  }
0xc: {  	s10 =	sadd.s32 $0x1500, s5;
	s11 =	sadd.s32 $0x1580, s5;
	s12 =	sadd.s32 $0x1600, s5  }
0xd: {  	s13 =	sadd.s32 $0x1680, s5;
	s14 =	sadd.s32 $0x1700, s5;
	[dreg:$0x3] =	wrdreg s22  }
0xe: {  	s15 =	sadd.s32 $0x1780, s5;
	s16 =	sadd.s32 $0x1800, s5;
	[dreg:$0x4] =	wrdreg s23  }
0xf: {  	s17 =	sadd.s32 $0x1880, s5;
	s18 =	sadd.s32 $0x1900, s5;
	[dreg:$0x5] =	wrdreg s24  }
0x10: {  	s19 =	sadd.s32 $0x1980, s5;
	s20 =	sadd.s32 $0x1A00, s5;
	[dreg:$0x6] =	wrdreg s25  }
0x11: {  	s21 =	sadd.s32 $0x1A80, s5;
	[dreg:$0x7] =	wrdreg s26;
	s22 =	sadd.s32 $0x1B00, s5  }
0x12: {  	s23 =	sadd.s32 $0x1B80, s5;
	s24 =	sadd.s32 $0x1C00, s0;
	s25 =	smax.u32 s1, $0x1  }
0x13: {  	s26 =	simm.s32 $0x100;
	s0 =	simm.s32 $0x180;
	s1 =	simm.s32 $0x1  }
.LBB2_1:
0x14: {  	s5 =	rddreg [dreg:$0x3]  }
0x15: {  	[tilespmem:s3], [sflag:$0x1] =	stream.linear.gather [hbm4b:s5+s3], $0x20, $0x38;
	[tilespmem:$0x15280] =	vst v63  }
0x16: {  	s8 =	rddreg [dreg:$0x4];
	s6 =	simm.s32 $0x20  }
0x17: {  	[tilespmem:s6], [sflag:$0x1] =	stream.linear.gather [hbm4b:s8+s3], $0x20, $0x38;
	[tilespmem:$0x15280] =	vst v63  }
0x18: {  	s7 =	rddreg [dreg:$0x5];
	s8 =	simm.s32 $0x40  }
0x19: {  	[tilespmem:s8], [sflag:$0x1] =	stream.linear.gather [hbm4b:s7+s3], $0x20, $0x38;
	[tilespmem:$0x15280] =	vst v63  }
0x1a: {  	s7 =	rddreg [dreg:$0x6];
	s8 =	simm.s32 $0x60  }
0x1b: {  	[tilespmem:s8], [sflag:$0x1] =	stream.linear.gather [hbm4b:s7+s3], $0x20, $0x38;
	[tilespmem:$0x15280] =	vst v63  }
0x1c: {  	s6 =	rddreg [dreg:$0x7]  }
0x1d: {  	[tilespmem:s30], [sflag:$0x1] =	stream.linear.gather [hbm4b:s6+s3], $0x20, $0x38;
	[tilespmem:$0x15280] =	vst v63  }
0x1e: {  	s7 =	simm.s32 $0xA0  }
0x1f: {  	[tilespmem:s7], [sflag:$0x1] =	stream.linear.gather [hbm4b:s9+s3], $0x20, $0x38;
	[tilespmem:$0x15280] =	vst v63  }
0x20: {  	s8 =	simm.s32 $0xC0  }
0x21: {  	[tilespmem:s8], [sflag:$0x1] =	stream.linear.gather [hbm4b:s10+s3], $0x20, $0x38;
	[tilespmem:$0x15280] =	vst v63  }
0x22: {  	s6 =	simm.s32 $0xE0  }
0x23: {  	[tilespmem:s6], [sflag:$0x1] =	stream.linear.gather [hbm4b:s11+s3], $0x20, $0x38;
	[tilespmem:$0x15280] =	vst v63  }
0x24: {  	_ = 	snop  }
0x25: {  	[tilespmem:s26], [sflag:$0x1] =	stream.linear.gather [hbm4b:s12+s3], $0x20, $0x38;
	[tilespmem:$0x15280] =	vst v63  }
0x26: {  	s7 =	simm.s32 $0x120  }
0x27: {  	[tilespmem:s7], [sflag:$0x1] =	stream.linear.gather [hbm4b:s13+s3], $0x20, $0x38;
	[tilespmem:$0x15280] =	vst v63  }
0x28: {  	s8 =	simm.s32 $0x140  }
0x29: {  	[tilespmem:s8], [sflag:$0x1] =	stream.linear.gather [hbm4b:s14+s3], $0x20, $0x38;
	[tilespmem:$0x15280] =	vst v63  }
0x2a: {  	s6 =	simm.s32 $0x160  }
0x2b: {  	[tilespmem:s6], [sflag:$0x1] =	stream.linear.gather [hbm4b:s15+s3], $0x20, $0x38;
	[tilespmem:$0x15280] =	vst v63  }
0x2c: {  	_ = 	snop  }
0x2d: {  	[tilespmem:s0], [sflag:$0x1] =	stream.linear.gather [hbm4b:s16+s3], $0x20, $0x38;
	[tilespmem:$0x15280] =	vst v63  }
0x2e: {  	s7 =	simm.s32 $0x1A0  }
0x2f: {  	[tilespmem:s7], [sflag:$0x1] =	stream.linear.gather [hbm4b:s17+s3], $0x20, $0x38;
	[tilespmem:$0x15280] =	vst v63  }
0x30: {  	s8 =	simm.s32 $0x1C0  }
0x31: {  	[tilespmem:s8], [sflag:$0x1] =	stream.linear.gather [hbm4b:s18+s3], $0x20, $0x38;
	[tilespmem:$0x15280] =	vst v63  }
0x32: {  	s6 =	simm.s32 $0x1E0  }
0x33: {  	[tilespmem:s6], [sflag:$0x1] =	stream.linear.gather [hbm4b:s19+s3], $0x20, $0x38;
	[tilespmem:$0x15280] =	vst v63  }
0x34: {  	_ = 	snop  }
0x35: {  	[tilespmem:s31], [sflag:$0x1] =	stream.linear.gather [hbm4b:s20+s3], $0x20, $0x38;
	[tilespmem:$0x15280] =	vst v63  }
0x36: {  	s7 =	simm.s32 $0x220  }
0x37: {  	[tilespmem:s7], [sflag:$0x1] =	stream.linear.gather [hbm4b:s21+s3], $0x20, $0x38;
	[tilespmem:$0x15280] =	vst v63  }
0x38: {  	s8 =	simm.s32 $0x240  }
0x39: {  	[tilespmem:s8], [sflag:$0x1] =	stream.linear.gather [hbm4b:s22+s3], $0x20, $0x38;
	[tilespmem:$0x15280] =	vst v63  }
0x3a: {  	s6 =	simm.s32 $0x260  }
0x3b: {  	[tilespmem:s6], [sflag:$0x1] =	stream.linear.gather [hbm4b:s23+s3], $0x20, $0x38;
	[tilespmem:$0x15280] =	vst v63  }
0x3c: {  	_ =	swait.ge [sflag:s1], $0x20  }
0x3d: {  	[sflag:s1] =	ssyncset.done $0x0  }
0x3e: {  	[sflag:s1] =	ssyncadd.s32 $0xFFFFFFE0  }
0x3f: {  	_ =	swait.ge [sflag:s1], $0x20  }
0x40: {  	[sflag:s1] =	ssyncset.done $0x0  }
0x41: {  	[sflag:s1] =	ssyncadd.s32 $0xFFFFFFE0  }
0x42: {  	_ =	swait.ge [sflag:s1], $0x20  }
0x43: {  	[sflag:s1] =	ssyncset.done $0x0  }
0x44: {  	[sflag:s1] =	ssyncadd.s32 $0xFFFFFFE0  }
0x45: {  	_ =	swait.ge [sflag:s1], $0x20  }
0x46: {  	[sflag:s1] =	ssyncset.done $0x0  }
0x47: {  	[sflag:s1] =	ssyncadd.s32 $0xFFFFFFE0  }
0x48: {  	_ =	swait.ge [sflag:s1], $0x20  }
0x49: {  	[sflag:s1] =	ssyncset.done $0x0  }
0x4a: {  	[sflag:s1] =	ssyncadd.s32 $0xFFFFFFE0  }
0x4b: {  	_ =	swait.ge [sflag:s1], $0x20  }
0x4c: {  	[sflag:s1] =	ssyncset.done $0x0  }
0x4d: {  	[sflag:s1] =	ssyncadd.s32 $0xFFFFFFE0  }
0x4e: {  	_ =	swait.ge [sflag:s1], $0x20  }
0x4f: {  	[sflag:s1] =	ssyncset.done $0x0  }
0x50: {  	[sflag:s1] =	ssyncadd.s32 $0xFFFFFFE0  }
0x51: {  	_ =	swait.ge [sflag:s1], $0x20  }
0x52: {  	[sflag:s1] =	ssyncset.done $0x0  }
0x53: {  	[sflag:s1] =	ssyncadd.s32 $0xFFFFFFE0  }
0x54: {  	_ =	swait.ge [sflag:s1], $0x20  }
0x55: {  	[sflag:s1] =	ssyncset.done $0x0  }
0x56: {  	[sflag:s1] =	ssyncadd.s32 $0xFFFFFFE0  }
0x57: {  	_ =	swait.ge [sflag:s1], $0x20  }
0x58: {  	[sflag:s1] =	ssyncset.done $0x0  }
0x59: {  	[sflag:s1] =	ssyncadd.s32 $0xFFFFFFE0  }
0x5a: {  	_ =	swait.ge [sflag:s1], $0x20  }
0x5b: {  	[sflag:s1] =	ssyncset.done $0x0  }
0x5c: {  	[sflag:s1] =	ssyncadd.s32 $0xFFFFFFE0  }
0x5d: {  	_ =	swait.ge [sflag:s1], $0x20  }
0x5e: {  	[sflag:s1] =	ssyncset.done $0x0  }
0x5f: {  	[sflag:s1] =	ssyncadd.s32 $0xFFFFFFE0  }
0x60: {  	_ =	swait.ge [sflag:s1], $0x20  }
0x61: {  	[sflag:s1] =	ssyncset.done $0x0  }
0x62: {  	[sflag:s1] =	ssyncadd.s32 $0xFFFFFFE0  }
0x63: {  	_ =	swait.ge [sflag:s1], $0x20  }
0x64: {  	[sflag:s1] =	ssyncset.done $0x0  }
0x65: {  	[sflag:s1] =	ssyncadd.s32 $0xFFFFFFE0  }
0x66: {  	_ =	swait.ge [sflag:s1], $0x20  }
0x67: {  	[sflag:s1] =	ssyncset.done $0x0  }
0x68: {  	[sflag:s1] =	ssyncadd.s32 $0xFFFFFFE0  }
0x69: {  	_ =	swait.ge [sflag:s1], $0x20  }
0x6a: {  	[sflag:s1] =	ssyncset.done $0x0  }
0x6b: {  	[sflag:s1] =	ssyncadd.s32 $0xFFFFFFE0  }
0x6c: {  	_ =	swait.ge [sflag:s1], $0x20  }
0x6d: {  	[sflag:s1] =	ssyncset.done $0x0  }
0x6e: {  	[sflag:s1] =	ssyncadd.s32 $0xFFFFFFE0  }
0x6f: {  	_ =	swait.ge [sflag:s1], $0x20  }
0x70: {  	[sflag:s1] =	ssyncset.done $0x0  }
0x71: {  	[sflag:s1] =	ssyncadd.s32 $0xFFFFFFE0  }
0x72: {  	_ =	swait.ge [sflag:s1], $0x20  }
0x73: {  	[sflag:s1] =	ssyncset.done $0x0  }
0x74: {  	[sflag:s1] =	ssyncadd.s32 $0xFFFFFFE0  }
0x75: {  	_ =	swait.ge [sflag:s1], $0x20  }
0x76: {  	[sflag:s1] =	ssyncset.done $0x0  }
0x77: {  	s7 =	simm.s32 $0x280;
	[sflag:s1] =	ssyncadd.s32 $0xFFFFFFE0  }
0x78: {  	[tilespmem:s7], [sflag:$0x2] =	stream.indirect.gather [hbm4b:s2+s30], $0x80, s3, s30, $0xb8;
	[tilespmem:$0x15280] =	vst v63  }
0x79: {  	s8 =	simm.s32 $0x4280  }
0x7a: {  	[tilespmem:s8], [sflag:$0x2] =	stream.indirect.gather [hbm4b:s2+s30], $0x80, s30, s30, $0xb8;
	[tilespmem:$0x15280] =	vst v63  }
0x7b: {  	s6 =	simm.s32 $0x8280  }
0x7c: {  	[tilespmem:s6], [sflag:$0x2] =	stream.indirect.gather [hbm4b:s2+s30], $0x80, s26, s30, $0xb8;
	[tilespmem:$0x15280] =	vst v63  }
0x7d: {  	s7 =	simm.s32 $0xC280  }
0x7e: {  	[tilespmem:s7], [sflag:$0x2] =	stream.indirect.gather [hbm4b:s2+s30], $0x80, s0, s30, $0xb8;
	[tilespmem:$0x15280] =	vst v63  }
0x7f: {  	s8 =	simm.s32 $0x10280  }
0x80: {  	[tilespmem:s8], [sflag:$0x2] =	stream.indirect.gather [hbm4b:s2+s30], $0x80, s31, s30, $0xb8;
	[tilespmem:$0x15280] =	vst v63  }
0x81: {  	_ =	swait.ge [sflag:s29], $0x4000  }
0x82: {  	[sflag:s29] =	ssyncset.done $0x0  }
0x83: {  	[sflag:s29] =	ssyncadd.s32 $0xFFFFC000  }
0x84: {  	_ =	swait.ge [sflag:s29], $0x4000  }
0x85: {  	[sflag:s29] =	ssyncset.done $0x0  }
0x86: {  	[sflag:s29] =	ssyncadd.s32 $0xFFFFC000  }
0x87: {  	_ =	swait.ge [sflag:s29], $0x4000  }
0x88: {  	[sflag:s29] =	ssyncset.done $0x0  }
0x89: {  	[sflag:s29] =	ssyncadd.s32 $0xFFFFC000  }
0x8a: {  	_ =	swait.ge [sflag:s29], $0x4000  }
0x8b: {  	[sflag:s29] =	ssyncset.done $0x0  }
0x8c: {  	[sflag:s29] =	ssyncadd.s32 $0xFFFFC000  }
0x8d: {  	_ =	swait.ge [sflag:s29], $0x4000  }
0x8e: {  	[sflag:s29] =	ssyncset.done $0x0  }
0x8f: {  	s6 =	simm.s32 $0x0;
	[sflag:s29] =	ssyncadd.s32 $0xFFFFC000  }
0x90: {  	v0 =	vld [tilespmem:s6+$0x280];
	_ =	sdelay $0x1  }
0x91: {  	v1 =	vld [tilespmem:s6+$0x1280];
	_ =	sdelay $0x1  }
0x92: {  	v2 =	vld [tilespmem:s6+$0x2280]  }
0x93: {  	v0 =	vadd.f32 $0.0e+00, v0  }
0x94: {  	v3 =	vld [tilespmem:s6+$0x3280]  }
0x95: {  	v0 =	vadd.f32 v1, v0  }
0x96: {  	v1 =	vld [tilespmem:s6+$0x4280]  }
0x97: {  	v0 =	vadd.f32 v2, v0  }
0x98: {  	v2 =	vld [tilespmem:s6+$0x5280]  }
0x99: {  	v0 =	vadd.f32 v3, v0  }
0x9a: {  	v3 =	vld [tilespmem:s6+$0x6280]  }
0x9b: {  	v0 =	vadd.f32 v1, v0  }
0x9c: {  	v1 =	vld [tilespmem:s6+$0x7280]  }
0x9d: {  	v0 =	vadd.f32 v2, v0  }
0x9e: {  	v2 =	vld [tilespmem:s6+$0x8280]  }
0x9f: {  	v0 =	vadd.f32 v3, v0  }
0xa0: {  	s5 =	simm.s32 $0x80;
	v3 =	vld [tilespmem:s6+$0x9280]  }
0xa1: {  	v4 =	vld [tilespmem:s5+$0x280];
	v0 =	vadd.f32 v1, v0  }
0xa2: {  	v1 =	vld [tilespmem:s6+$0xA280]  }
0xa3: {  	v5 =	vld [tilespmem:s5+$0x1280];
	v0 =	vadd.f32 v2, v0  }
0xa4: {  	v2 =	vld [tilespmem:s6+$0xB280]  }
0xa5: {  	v6 =	vld [tilespmem:s5+$0x2280];
	v0 =	vadd.f32 v3, v0  }
0xa6: {  	v3 =	vld [tilespmem:s6+$0xC280]  }
0xa7: {  	v7 =	vld [tilespmem:s5+$0x3280];
	v4 =	vadd.f32 $0.0e+00, v4;
	v0 =	vadd.f32 v1, v0  }
0xa8: {  	v1 =	vld [tilespmem:s6+$0xD280]  }
0xa9: {  	v4 =	vadd.f32 v5, v4;
	v5 =	vld [tilespmem:s5+$0x4280];
	v0 =	vadd.f32 v2, v0  }
0xaa: {  	v2 =	vld [tilespmem:s6+$0xE280]  }
0xab: {  	v4 =	vadd.f32 v6, v4;
	v6 =	vld [tilespmem:s5+$0x5280];
	v0 =	vadd.f32 v3, v0  }
0xac: {  	v3 =	vld [tilespmem:s6+$0xF280]  }
0xad: {  	v4 =	vadd.f32 v7, v4;
	v7 =	vld [tilespmem:s5+$0x6280];
	v0 =	vadd.f32 v1, v0  }
0xae: {  	v1 =	vld [tilespmem:s6+$0x10280]  }
0xaf: {  	v8 =	vld [tilespmem:s6+$0x11280];
	v4 =	vadd.f32 v5, v4;
	v0 =	vadd.f32 v2, v0  }
0xb0: {  	v2 =	vld [tilespmem:s5+$0x7280]  }
0xb1: {  	v4 =	vadd.f32 v6, v4;
	v5 =	vadd.f32 v3, v0;
	v0 =	vld [tilespmem:s6+$0x12280]  }
0xb2: {  	v3 =	vld [tilespmem:s5+$0x8280]  }
0xb3: {  	v6 =	vadd.f32 v7, v4;
	v4 =	vld [tilespmem:s5+$0x9280];
	v7 =	vadd.f32 v1, v5  }
0xb4: {  	v1 =	vld [tilespmem:s6+$0x13280]  }
0xb5: {  	s7 =	simm.s32 $0x100;
	s8 =	simm.s32 $0x600;
	v5 =	vadd.f32 v2, v6;
	v2 =	vld [tilespmem:s5+$0xA280];
	v6 =	vadd.f32 v8, v7  }
.LBB2_2:
0xb6: {  	p0 =	sne.s32 s8, $0x3E00;
	v7 =	vld [tilespmem:s7+$0x280]  }
0xb7: {  	v3 =	vadd.f32 v3, v5;
	v5 =	vld [tilespmem:s5+$0xB280];
	v0 =	vadd.f32 v0, v6  }
0xb8: {  	v6 =	vld [tilespmem:s7+$0x1280]  }
0xb9: {  	v3 =	vadd.f32 v4, v3;
	v4 =	vld [tilespmem:s5+$0xC280];
	v0 =	vadd.f32 v1, v0  }
0xba: {  	v1 =	vld [tilespmem:s7+$0x2280]  }
0xbb: {  	v7 =	vadd.f32 $0.0e+00, v7;
	v2 =	vadd.f32 v2, v3;
	v3 =	vld [tilespmem:s5+$0xD280];
	[tilespmem:s6+$0x14280] =	vst v0;
	s6 =	smov.u32 s5;
	s5 =	smov.u32 s7  }
0xbc: {  	v0 =	vld [tilespmem:s5+$0x3280]  }
0xbd: {  	v6 =	vadd.f32 v6, v7;
	v2 =	vadd.f32 v5, v2;
	v5 =	vld [tilespmem:s6+$0xE280]  }
0xbe: {  	v7 =	vld [tilespmem:s5+$0x4280]  }
0xbf: {  	v1 =	vadd.f32 v1, v6;
	v2 =	vadd.f32 v4, v2;
	v4 =	vld [tilespmem:s6+$0xF280]  }
0xc0: {  	v6 =	vld [tilespmem:s5+$0x5280]  }
0xc1: {  	v0 =	vadd.f32 v0, v1;
	v1 =	vadd.f32 v3, v2;
	v2 =	vld [tilespmem:s6+$0x10280]  }
0xc2: {  	v8 =	vld [tilespmem:s5+$0x6280]  }
0xc3: {  	v0 =	vadd.f32 v7, v0;
	v1 =	vadd.f32 v5, v1;
	v7 =	vld [tilespmem:s6+$0x11280]  }
0xc4: {  	v5 =	vld [tilespmem:s5+$0x7280]  }
.Ltmp0:
0xc5: {  	v6 =	vadd.f32 v6, v0;
	v1 =	vadd.f32 v4, v1;
	v0 =	vld [tilespmem:s6+$0x12280];
	(pc) =	sbr.rel @p0 .LBB2_2-.Ltmp0, $4  }
0xc6: {  	v3 =	vld [tilespmem:s5+$0x8280]  }
0xc7: {  	v6 =	vadd.f32 v8, v6;
	v8 =	vadd.f32 v2, v1;
	v1 =	vld [tilespmem:s6+$0x13280]  }
0xc8: {  	v4 =	vld [tilespmem:s5+$0x9280]  }
0xc9: {  	s7 =	sshra.s32 s8, $0x2;
	s8 =	sadd.s32 $0x200, s8;
	v5 =	vadd.f32 v5, v6;
	v2 =	vld [tilespmem:s5+$0xA280];
	v6 =	vadd.f32 v7, v8  }
0xca: {  	v7 =	vld [tilespmem:s7+$0x280]  }
0xcb: {  	v8 =	vld [tilespmem:s5+$0xB280];
	v0 =	vadd.f32 v0, v6  }
0xcc: {  	v38 =	vld [tilespmem:s7+$0x1280]  }
0xcd: {  	v9 =	vld [tilespmem:s5+$0xC280];
	v3 =	vadd.f32 v3, v5;
	v0 =	vadd.f32 v1, v0  }
0xce: {  	v39 =	vld [tilespmem:s7+$0x2280]  }
0xcf: {  	v40 =	vld [tilespmem:s5+$0xD280];
	v3 =	vadd.f32 v4, v3;
	v41 =	vadd.f32 $0.0e+00, v7;
	[tilespmem:s6+$0x14280] =	vst v0  }
0xd0: {  	v0 =	vld [tilespmem:s7+$0x3280]  }
0xd1: {  	v2 =	vadd.f32 v2, v3;
	v42 =	vadd.f32 v38, v41  }
0xd2: {  	v43 =	vld [tilespmem:s7+$0x4280]  }
0xd3: {  	v44 =	vld [tilespmem:s5+$0xE280];
	v2 =	vadd.f32 v8, v2;
	v1 =	vadd.f32 v39, v42  }
0xd4: {  	v45 =	vld [tilespmem:s7+$0x5280]  }
0xd5: {  	v46 =	vld [tilespmem:s5+$0xF280];
	v2 =	vadd.f32 v9, v2;
	v0 =	vadd.f32 v0, v1  }
0xd6: {  	v47 =	vld [tilespmem:s7+$0x6280]  }
0xd7: {  	v48 =	vld [tilespmem:s5+$0x10280];
	v2 =	vadd.f32 v40, v2;
	v0 =	vadd.f32 v43, v0  }
0xd8: {  	v49 =	vld [tilespmem:s7+$0x7280]  }
0xd9: {  	v50 =	vld [tilespmem:s5+$0x11280];
	v2 =	vadd.f32 v44, v2;
	v0 =	vadd.f32 v45, v0  }
0xda: {  	v51 =	vld [tilespmem:s7+$0x8280]  }
0xdb: {  	v52 =	vld [tilespmem:s5+$0x12280];
	v2 =	vadd.f32 v46, v2;
	v0 =	vadd.f32 v47, v0  }
0xdc: {  	v53 =	vld [tilespmem:s7+$0x9280]  }
0xdd: {  	v54 =	vld [tilespmem:s5+$0x13280];
	v2 =	vadd.f32 v48, v2;
	v0 =	vadd.f32 v49, v0  }
0xde: {  	v55 =	vld [tilespmem:s7+$0xA280]  }
0xdf: {  	v2 =	vadd.f32 v50, v2;
	v0 =	vadd.f32 v51, v0  }
0xe0: {  	v56 =	vld [tilespmem:s7+$0xB280]  }
0xe1: {  	v2 =	vadd.f32 v52, v2;
	v0 =	vadd.f32 v53, v0  }
0xe2: {  	v57 =	vld [tilespmem:s7+$0xC280]  }
0xe3: {  	v2 =	vadd.f32 v54, v2;
	v0 =	vadd.f32 v55, v0  }
0xe4: {  	v58 =	vld [tilespmem:s7+$0xD280]  }
0xe5: {  	[tilespmem:s5+$0x14280] =	vst v2;
	v0 =	vadd.f32 v56, v0  }
0xe6: {  	v2 =	vld [tilespmem:s7+$0xE280]  }
0xe7: {  	v0 =	vadd.f32 v57, v0  }
0xe8: {  	v59 =	vld [tilespmem:s7+$0xF280]  }
0xe9: {  	v0 =	vadd.f32 v58, v0  }
0xea: {  	v60 =	vld [tilespmem:s7+$0x10280]  }
0xeb: {  	v0 =	vadd.f32 v2, v0  }
0xec: {  	v61 =	vld [tilespmem:s7+$0x11280]  }
0xed: {  	v0 =	vadd.f32 v59, v0  }
0xee: {  	v62 =	vld [tilespmem:s7+$0x12280]  }
0xef: {  	v0 =	vadd.f32 v60, v0  }
0xf0: {  	v63 =	vld [tilespmem:s7+$0x13280]  }
0xf1: {  	v0 =	vadd.f32 v61, v0;
	_ =	sdelay $0x1  }
0xf2: {  	v0 =	vadd.f32 v62, v0;
	_ =	sdelay $0x1  }
0xf3: {  	s4 =	sadd.s32 $0x1, s4;
	v0 =	vadd.f32 v63, v0  }
0xf4: {  	p0 =	sne.s32 s4, s25  }
.Ltmp1:
0xf5: {  	s8 =	simm.s32 $0x14280;
	[tilespmem:s7+$0x14280] =	vst v0;
	(pc) =	sbr.rel @p0 .LBB2_1-.Ltmp1, $4  }
0xf6: {  	[hbm4b:s24+s3] =	stream.linear.scatter [tilespmem:s8], [sflag:$0x3], $0x1000, $0x38;
	[tilespmem:$0x15280] =	vst v63  }
0xf7: {  	_ =	swait.ge [sflag:s28], $0x1000  }
0xf8: {  	[sflag:s28] =	ssyncset.done $0x0  }
0xf9: {  	[sflag:s28] =	ssyncadd.s32 $0xFFFFF000  }
0xfa: {  	_ =	sfence.sel $0x180000  }
0xfb: {  	[bflag:$0x0] =	sbarrier.arrive $0xFFFF  }
0xfc: {  	_ =	strace $0x90000047  }
0xfd: {  	s0 =	stileid.u32;
	[bflag:$0x2] =	sbarrier.arrive $0xFFFF  }
0xfe: {  	p0 =	sne.s32 s0, $0x0;
	s0 =	rddreg [dreg:$0x2]  }
0xff: {  	s0 =	sadd.s32 @!p0 $0x100000, s0  }
0x100: {  	[sflag:s0] =	ssyncadd.tile.s32 @!p0 $0x1;
	_ =	shalt  }
.Lfunc_end2:
_tile_overlayer_lowered:
.L_overlay_start_2:
0x101: {  	(tag) =	ssettag $0x2  }
0x102: {  	s0 =	rddreg [dreg:$0x0];
	s2 =	stileid.u32  }
0x103: {  	s1 =	rddreg [dreg:$0x1];
	p0 =	sne.s32 s2, $0x0  }
0x104: {  	s3 =	rddreg [dreg:$0x2];
	[bflag:$0x3] =	sbarrier.arrive $0xFFFF;
	s2 =	simm.s32 @!p0 $0x1C03  }
0x105: {  	[timem:s3], [sflag:s2] =	dma.local @!p0 [hbm:s0], s1  }
0x106: {  	s0 =	simm.s32 @!p0 $0x3  }
0x107: {  	_ =	swait.ge @!p0 [sflag:s0], s1  }
0x108: {  	s1 =	ssub.s32 @!p0 $0x0, s1;
	[sflag:s0] =	ssyncset.done @!p0 $0x0  }
0x109: {  	[sflag:s0] =	ssyncadd.s32 @!p0 s1  }
0x10a: {  	[bflag:$0x3] =	sbarrier.arrive $0xFFFF  }
0x10b: {  	_ =	shalt  }

</sc_bundles>
